<compile_context>
chip_gen: v7x
topology: tpu7x:2x2x1
jax: 0.10.2.dev20260603
libtpu: 0.0.44.dev20260713+nightly
codegen_flags: <defaults>
</compile_context>

<pallas_src>
import functools

import jax
import jax.numpy as jnp
from jax import lax
from jax.experimental import pallas as pl
from jax.experimental.pallas import tpu as pltpu
from jax.experimental.pallas import tpu_sc as plsc

DIM = 64
ROWS = 100
SB = 16


@functools.lru_cache(maxsize=None)
def _build(num_blocks):
    info = plsc.get_sparse_core_info()
    nc, ns = info.num_cores, info.num_subcores
    nw = nc * ns
    bpw = num_blocks // nw
    nsb = bpw // SB
    mesh = plsc.VectorSubcoreMesh(core_axis_name="c", subcore_axis_name="s")

    @functools.partial(
        pl.kernel,
        mesh=mesh,
        out_type=jax.ShapeDtypeStruct((num_blocks * ROWS, DIM), jnp.float32),
        compiler_params=pltpu.CompilerParams(use_tc_tiling_on_sc=False),
        scratch_types=[
            pltpu.VMEM((SB, ROWS), jnp.int32),
            pltpu.VMEM((SB, ROWS), jnp.int32),
            pltpu.VMEM((SB, ROWS), jnp.int32),
            pltpu.VMEM((2, ROWS), jnp.int32),
            pltpu.VMEM((2, ROWS, DIM), jnp.float32),
            pltpu.VMEM((2, ROWS, DIM), jnp.float32),
            pltpu.VMEM((2, ROWS, DIM), jnp.float32),
            pltpu.VMEM_SHARED((ns * 2 * ROWS, DIM), jnp.float32),
            pltpu.SemaphoreType.DMA,
            pltpu.SemaphoreType.DMA,
            pltpu.SemaphoreType.DMA,
            pltpu.SemaphoreType.DMA,
        ],
    )
    def k(ex_idx, comb_idx, scat_idx, ident, ex_tab, comb_tab, out,
          exidx_s, combidx_s, scatidx_s, identv, exbuf, combbuf, outbuf, slab,
          sem_g0, sem_g1, sem_w0, sem_w1):
        cid = lax.axis_index("c")
        sid = lax.axis_index("s")
        wid = sid * nc + cid
        base = wid * bpw
        sem_g = (sem_g0, sem_g1)
        sem_w = (sem_w0, sem_w1)
        pltpu.sync_copy(ident.at[sid], identv)

        def slab_slice(c):
            return slab.at[pl.ds((sid * 2 + c) * ROWS, ROWS)]

        def issue_gathers(j, c):
            pltpu.async_copy(ex_tab.at[exidx_s.at[j]], exbuf.at[c], sem_g[c])
            pltpu.async_copy(comb_tab.at[combidx_s.at[j]], combbuf.at[c],
                             sem_g[c])

        def consume(i, j, c):
            pltpu.make_async_copy(
                ex_tab.at[exidx_s.at[j]], exbuf.at[c], sem_g[c]).wait()
            pltpu.make_async_copy(
                comb_tab.at[combidx_s.at[j]], combbuf.at[c], sem_g[c]).wait()

            @pl.when(i >= 2)
            def _():
                pltpu.make_async_copy(
                    outbuf.at[c], out.at[scatidx_s.at[j]], sem_w[c]).wait()

            pltpu.sync_copy(exbuf.at[c], slab_slice(c))
            pltpu.sync_copy(combbuf.at[c], slab.at[identv.at[c]], add=True)
            pltpu.sync_copy(slab_slice(c), outbuf.at[c])
            pltpu.async_copy(outbuf.at[c], out.at[scatidx_s.at[j]], sem_w[c])

        def outer(sb, carry):
            sb_base = base + sb * SB
            pltpu.sync_copy(ex_idx.at[pl.ds(sb_base, SB)], exidx_s)
            pltpu.sync_copy(comb_idx.at[pl.ds(sb_base, SB)], combidx_s)
            pltpu.sync_copy(scat_idx.at[pl.ds(sb_base, SB)], scatidx_s)
            issue_gathers(0, 0)

            def inner(g, carry2):
                for half in range(2):
                    j = 2 * g + half
                    c = half
                    i = sb * SB + j

                    @pl.when(j + 1 < SB)
                    def _():
                        issue_gathers(j + 1, 1 - c)

                    consume(i, j, c)
                return carry2

            lax.fori_loop(0, SB // 2, inner, 0)
            return carry

        lax.fori_loop(0, nsb, outer, 0)
        for c in range(2):
            pltpu.make_async_copy(
                outbuf.at[c], out.at[scatidx_s.at[SB - 2 + c]],
                sem_w[c]).wait()

    return k


def _transpose_tc(z2, seq, batch):
    def body(z_ref, x_ref):
        x = z_ref[...]
        x_ref[...] = x.T.reshape(2, DIM, batch)

    return pl.pallas_call(
        body,
        grid=(seq // 2,),
        in_specs=[pl.BlockSpec((batch, 2 * DIM), lambda i: (i, 0))],
        out_specs=pl.BlockSpec((2, DIM, batch), lambda i: (i, 0, 0)),
        out_shape=jax.ShapeDtypeStruct((seq, DIM, batch), jnp.float32),
    )(z2)


def kernel(exercise_tokens, category_tokens, exercise_table, category_table,
           position_table):
    batch, seq = exercise_tokens.shape
    dim = exercise_table.shape[1]
    num_blocks = (batch * seq) // ROWS
    ex_idx = exercise_tokens.reshape(num_blocks, ROWS).astype(jnp.int32)
    comb_idx = (category_tokens.astype(jnp.int32) * seq
                + jnp.arange(seq, dtype=jnp.int32)[None, :])
    comb_idx = comb_idx.reshape(num_blocks, ROWS)
    ex_tab = exercise_table
    comb_tab = (category_table[:, None, :]
                + position_table[None, :, :]).reshape(-1, dim)
    ls = jnp.arange(seq, dtype=jnp.int32)[None, :]
    bs = jnp.arange(batch, dtype=jnp.int32)[:, None]
    scat_idx = ((ls // 2) * (2 * batch) + bs * 2 + (ls % 2))
    scat_idx = scat_idx.reshape(num_blocks, ROWS)
    info = plsc.get_sparse_core_info()
    ident = (jnp.arange(ROWS, dtype=jnp.int32)[None, :]
             + ROWS * jnp.arange(info.num_subcores * 2,
                                 dtype=jnp.int32)[:, None])
    ident = ident.reshape(info.num_subcores, 2, ROWS)
    k = _build(num_blocks)
    z = k(ex_idx, comb_idx, scat_idx, ident, ex_tab, comb_tab)
    z2 = z.reshape((batch * seq) // 2, 2 * dim)
    x = _transpose_tc(z2, seq, batch)
    return jnp.transpose(x, (2, 0, 1))

# --- scband reference (transcript-rebuilt; emitter-appended) ---
"""Pipeline reference for scband-exercise-embedding-layer-41532333752897 (READ-ONLY COPY).

The authoritative reference and input builder live on the scoring server;
editing this copy changes nothing except your own understanding.
"""

import jax, jax.numpy as jnp
import numpy as np

EX_VOCAB = 100000
CAT_VOCAB = 1000
DIM = 64
MAX_LEN = 200
BATCH = 4096

def setup_inputs(seed: int = 0) -> dict:
    key = jax.random.key(seed)
    k1, k2, k3, k4, k5 = jax.random.split(key, 5)
    exercise_tokens = jax.random.randint(k1, (BATCH, MAX_LEN), 0, EX_VOCAB, dtype=jnp.int64 if jax.config.jax_enable_x64 else jnp.int32)
    category_tokens = jax.random.randint(k2, (BATCH, MAX_LEN), 0, CAT_VOCAB, dtype=jnp.int64 if jax.config.jax_enable_x64 else jnp.int32)
    exercise_table = jax.random.normal(k3, (EX_VOCAB, DIM), dtype=jnp.float32)
    category_table = jax.random.normal(k4, (CAT_VOCAB, DIM), dtype=jnp.float32)
    position_table = jax.random.normal(k5, (MAX_LEN, DIM), dtype=jnp.float32)
    return {
        "exercise_tokens": exercise_tokens,
        "category_tokens": category_tokens,
        "exercise_table": exercise_table,
        "category_table": category_table,
        "position_table": position_table,
    }

def reference(exercise_tokens, category_tokens, exercise_table, category_table, position_table):
    exercise_vectors = jnp.take(exercise_table, exercise_tokens, axis=0)
    category_vectors = jnp.take(category_table, category_tokens, axis=0)
    batch_size = exercise_tokens.shape[0]
    position_indices = jnp.broadcast_to(jnp.arange(MAX_LEN)[None, :], (batch_size, MAX_LEN))
    position_vectors = jnp.take(position_table, position_indices, axis=0)
    aggregated_embeddings = position_vectors + category_vectors + exercise_vectors
    return aggregated_embeddings

if __name__ == "__main__":
    import jax
    _d = setup_inputs()
    print(jax.jit(kernel)(*tuple(_d.values())))

</pallas_src>

<mosaic_0001>
#map = affine_map<(d0, d1) -> (0, 0)>
#map1 = affine_map<(d0, d1) -> (0, 0, 0)>
module attributes {stable_mosaic.version = 14 : i64} {
  func.func @k(%arg0: i32, %arg1: i32, %arg2: memref<8192x100xi32, #tpu.memory_space<hbm>>, %arg3: memref<8192x100xi32, #tpu.memory_space<hbm>>, %arg4: memref<8192x100xi32, #tpu.memory_space<hbm>>, %arg5: memref<16x2x100xi32, #tpu.memory_space<hbm>>, %arg6: memref<100000x64xf32, #tpu.memory_space<hbm>>, %arg7: memref<200000x64xf32, #tpu.memory_space<hbm>>, %arg8: memref<819200x64xf32, #tpu.memory_space<hbm>>, %arg9: memref<16x100xi32, #tpu.memory_space<vmem>>, %arg10: memref<16x100xi32, #tpu.memory_space<vmem>>, %arg11: memref<16x100xi32, #tpu.memory_space<vmem>>, %arg12: memref<2x100xi32, #tpu.memory_space<vmem>>, %arg13: memref<2x100x64xf32, #tpu.memory_space<vmem>>, %arg14: memref<2x100x64xf32, #tpu.memory_space<vmem>>, %arg15: memref<2x100x64xf32, #tpu.memory_space<vmem>>, %arg16: memref<3200x64xf32, #tpu.memory_space<vmem_shared>>, %arg17: memref<!tpu.dma_semaphore, #tpu.memory_space<semaphore_mem>>, %arg18: memref<!tpu.dma_semaphore, #tpu.memory_space<semaphore_mem>>, %arg19: memref<!tpu.dma_semaphore, #tpu.memory_space<semaphore_mem>>, %arg20: memref<!tpu.dma_semaphore, #tpu.memory_space<semaphore_mem>>) attributes {dimension_semantics = [#tpu.dimension_semantics<core_parallel>, #tpu.dimension_semantics<subcore_parallel>], iteration_bounds = array<i64: 2, 16>, scalar_prefetch = 0 : i64, scratch_operands = 12 : i64, tpu.core_type = #tpu.core_type<sc_vector_subcore>, window_params = [{transform_indices = #map}, {transform_indices = #map}, {transform_indices = #map}, {transform_indices = #map1}, {transform_indices = #map}, {transform_indices = #map}, {transform_indices = #map}]} {
    %mul3A = arith.constant 2 : i32
    %mul3A_0 = arith.muli %arg1, %mul3A : i32
    %add3A = arith.addi %mul3A_0, %arg0 : i32
    %mul3A_1 = arith.constant 256 : i32
    %mul3A_2 = arith.muli %add3A, %mul3A_1 : i32
    "tpu.region"() ({
      %run_scoped3A = tpu.sem_alloc : memref<!tpu.dma_semaphore, #tpu.memory_space<semaphore_mem>>
      %dma_start3A = arith.constant 0 : i32
      %dma_start3A_31 = arith.constant 0 : i32
      %dma_start3A_32 = tpu.memref_slice %arg5[%arg1, %dma_start3A, %dma_start3A_31] : memref<16x2x100xi32, #tpu.memory_space<hbm>> -> memref<1x2x100xi32, #tpu.memory_space<hbm>>
      %dma_start3A_33 = tpu.memref_squeeze %dma_start3A_32 : memref<1x2x100xi32, #tpu.memory_space<hbm>> -> memref<2x100xi32, #tpu.memory_space<hbm>>
      %dma_start3A_34 = arith.constant 0 : i32
      %dma_start3A_35 = arith.constant 0 : i32
      %dma_start3A_36 = tpu.memref_slice %arg5[%arg1, %dma_start3A_34, %dma_start3A_35] : memref<16x2x100xi32, #tpu.memory_space<hbm>> -> memref<1x2x100xi32, #tpu.memory_space<hbm>>
      %dma_start3A_37 = tpu.memref_squeeze %dma_start3A_36 : memref<1x2x100xi32, #tpu.memory_space<hbm>> -> memref<2x100xi32, #tpu.memory_space<hbm>>
      tpu.enqueue_dma source(%dma_start3A_37 : memref<2x100xi32, #tpu.memory_space<hbm>>) target(%arg12 : memref<2x100xi32, #tpu.memory_space<vmem>>) target_semaphore(%run_scoped3A : memref<!tpu.dma_semaphore, #tpu.memory_space<semaphore_mem>>)
      %dma_wait3A_38 = arith.constant 0 : i32
      %dma_wait3A_39 = arith.constant 0 : i32
      %dma_wait3A_40 = tpu.memref_slice %arg5[%arg1, %dma_wait3A_38, %dma_wait3A_39] : memref<16x2x100xi32, #tpu.memory_space<hbm>> -> memref<1x2x100xi32, #tpu.memory_space<hbm>>
      %dma_wait3A_41 = tpu.memref_squeeze %dma_wait3A_40 : memref<1x2x100xi32, #tpu.memory_space<hbm>> -> memref<2x100xi32, #tpu.memory_space<hbm>>
      %dma_wait3A_42 = arith.constant 0 : i32
      %dma_wait3A_43 = arith.constant 0 : i32
      %dma_wait3A_44 = tpu.memref_slice %arg5[%arg1, %dma_wait3A_42, %dma_wait3A_43] : memref<16x2x100xi32, #tpu.memory_space<hbm>> -> memref<1x2x100xi32, #tpu.memory_space<hbm>>
      %dma_wait3A_45 = tpu.memref_squeeze %dma_wait3A_44 : memref<1x2x100xi32, #tpu.memory_space<hbm>> -> memref<2x100xi32, #tpu.memory_space<hbm>>
      tpu.wait_dma2 semaphore(%run_scoped3A : memref<!tpu.dma_semaphore, #tpu.memory_space<semaphore_mem>>) src(%dma_wait3A_45 : memref<2x100xi32, #tpu.memory_space<hbm>>) dst(%arg12 : memref<2x100xi32, #tpu.memory_space<vmem>>)
      tpu.yield
    }) : () -> ()
    %scan3A = arith.constant 0 : i32
    %scan3A_3 = arith.constant 0 : i32
    %scan3A_4 = arith.constant 16 : i32
    %scan3A_5 = arith.addi %scan3A_3, %scan3A_4 : i32
    %scan3A_6 = arith.constant 1 : i32
    scf.for %scan3A_31 = %scan3A_3 to %scan3A_5 step %scan3A_6  : i32 {
      %mul3A_32 = arith.constant 16 : i32
      %mul3A_33 = arith.muli %scan3A_31, %mul3A_32 : i32
      %add3A_34 = arith.addi %mul3A_2, %mul3A_33 : i32
      "tpu.region"() ({
        %run_scoped3A = tpu.sem_alloc : memref<!tpu.dma_semaphore, #tpu.memory_space<semaphore_mem>>
        %dma_start3A_64 = arith.constant 0 : i32
        %dma_start3A_65 = tpu.memref_slice %arg2[%add3A_34, %dma_start3A_64] : memref<8192x100xi32, #tpu.memory_space<hbm>> -> memref<16x100xi32, #tpu.memory_space<hbm>>
        %dma_start3A_66 = arith.constant 0 : i32
        %dma_start3A_67 = tpu.memref_slice %arg2[%add3A_34, %dma_start3A_66] : memref<8192x100xi32, #tpu.memory_space<hbm>> -> memref<16x100xi32, #tpu.memory_space<hbm>>
        tpu.enqueue_dma source(%dma_start3A_67 : memref<16x100xi32, #tpu.memory_space<hbm>>) target(%arg9 : memref<16x100xi32, #tpu.memory_space<vmem>>) target_semaphore(%run_scoped3A : memref<!tpu.dma_semaphore, #tpu.memory_space<semaphore_mem>>)
        %dma_wait3A_68 = arith.constant 0 : i32
        %dma_wait3A_69 = tpu.memref_slice %arg2[%add3A_34, %dma_wait3A_68] : memref<8192x100xi32, #tpu.memory_space<hbm>> -> memref<16x100xi32, #tpu.memory_space<hbm>>
        %dma_wait3A_70 = arith.constant 0 : i32
        %dma_wait3A_71 = tpu.memref_slice %arg2[%add3A_34, %dma_wait3A_70] : memref<8192x100xi32, #tpu.memory_space<hbm>> -> memref<16x100xi32, #tpu.memory_space<hbm>>
        tpu.wait_dma2 semaphore(%run_scoped3A : memref<!tpu.dma_semaphore, #tpu.memory_space<semaphore_mem>>) src(%dma_wait3A_71 : memref<16x100xi32, #tpu.memory_space<hbm>>) dst(%arg9 : memref<16x100xi32, #tpu.memory_space<vmem>>)
        tpu.yield
      }) : () -> ()
      "tpu.region"() ({
        %run_scoped3A = tpu.sem_alloc : memref<!tpu.dma_semaphore, #tpu.memory_space<semaphore_mem>>
        %dma_start3A_64 = arith.constant 0 : i32
        %dma_start3A_65 = tpu.memref_slice %arg3[%add3A_34, %dma_start3A_64] : memref<8192x100xi32, #tpu.memory_space<hbm>> -> memref<16x100xi32, #tpu.memory_space<hbm>>
        %dma_start3A_66 = arith.constant 0 : i32
        %dma_start3A_67 = tpu.memref_slice %arg3[%add3A_34, %dma_start3A_66] : memref<8192x100xi32, #tpu.memory_space<hbm>> -> memref<16x100xi32, #tpu.memory_space<hbm>>
        tpu.enqueue_dma source(%dma_start3A_67 : memref<16x100xi32, #tpu.memory_space<hbm>>) target(%arg10 : memref<16x100xi32, #tpu.memory_space<vmem>>) target_semaphore(%run_scoped3A : memref<!tpu.dma_semaphore, #tpu.memory_space<semaphore_mem>>)
        %dma_wait3A_68 = arith.constant 0 : i32
        %dma_wait3A_69 = tpu.memref_slice %arg3[%add3A_34, %dma_wait3A_68] : memref<8192x100xi32, #tpu.memory_space<hbm>> -> memref<16x100xi32, #tpu.memory_space<hbm>>
        %dma_wait3A_70 = arith.constant 0 : i32
        %dma_wait3A_71 = tpu.memref_slice %arg3[%add3A_34, %dma_wait3A_70] : memref<8192x100xi32, #tpu.memory_space<hbm>> -> memref<16x100xi32, #tpu.memory_space<hbm>>
        tpu.wait_dma2 semaphore(%run_scoped3A : memref<!tpu.dma_semaphore, #tpu.memory_space<semaphore_mem>>) src(%dma_wait3A_71 : memref<16x100xi32, #tpu.memory_space<hbm>>) dst(%arg10 : memref<16x100xi32, #tpu.memory_space<vmem>>)
        tpu.yield
      }) : () -> ()
      "tpu.region"() ({
        %run_scoped3A = tpu.sem_alloc : memref<!tpu.dma_semaphore, #tpu.memory_space<semaphore_mem>>
        %dma_start3A_64 = arith.constant 0 : i32
        %dma_start3A_65 = tpu.memref_slice %arg4[%add3A_34, %dma_start3A_64] : memref<8192x100xi32, #tpu.memory_space<hbm>> -> memref<16x100xi32, #tpu.memory_space<hbm>>
        %dma_start3A_66 = arith.constant 0 : i32
        %dma_start3A_67 = tpu.memref_slice %arg4[%add3A_34, %dma_start3A_66] : memref<8192x100xi32, #tpu.memory_space<hbm>> -> memref<16x100xi32, #tpu.memory_space<hbm>>
        tpu.enqueue_dma source(%dma_start3A_67 : memref<16x100xi32, #tpu.memory_space<hbm>>) target(%arg11 : memref<16x100xi32, #tpu.memory_space<vmem>>) target_semaphore(%run_scoped3A : memref<!tpu.dma_semaphore, #tpu.memory_space<semaphore_mem>>)
        %dma_wait3A_68 = arith.constant 0 : i32
        %dma_wait3A_69 = tpu.memref_slice %arg4[%add3A_34, %dma_wait3A_68] : memref<8192x100xi32, #tpu.memory_space<hbm>> -> memref<16x100xi32, #tpu.memory_space<hbm>>
        %dma_wait3A_70 = arith.constant 0 : i32
        %dma_wait3A_71 = tpu.memref_slice %arg4[%add3A_34, %dma_wait3A_70] : memref<8192x100xi32, #tpu.memory_space<hbm>> -> memref<16x100xi32, #tpu.memory_space<hbm>>
        tpu.wait_dma2 semaphore(%run_scoped3A : memref<!tpu.dma_semaphore, #tpu.memory_space<semaphore_mem>>) src(%dma_wait3A_71 : memref<16x100xi32, #tpu.memory_space<hbm>>) dst(%arg11 : memref<16x100xi32, #tpu.memory_space<vmem>>)
        tpu.yield
      }) : () -> ()
      %dma_start3A = arith.constant 0 : i32
      %dma_start3A_35 = arith.constant 0 : i32
      %dma_start3A_36 = arith.constant 0 : i32
      %dma_start3A_37 = arith.constant 0 : i32
      %dma_start3A_38 = tpu.memref_slice %arg13[%dma_start3A_35, %dma_start3A_36, %dma_start3A_37] : memref<2x100x64xf32, #tpu.memory_space<vmem>> -> memref<1x100x64xf32, #tpu.memory_space<vmem>>
      %dma_start3A_39 = tpu.memref_squeeze %dma_start3A_38 : memref<1x100x64xf32, #tpu.memory_space<vmem>> -> memref<100x64xf32, #tpu.memory_space<vmem>>
      %dma_start3A_40 = arith.constant 0 : i32
      %dma_start3A_41 = tpu.memref_slice %arg9[%dma_start3A, %dma_start3A_40] : memref<16x100xi32, #tpu.memory_space<vmem>> -> memref<1x100xi32, #tpu.memory_space<vmem>>
      %dma_start3A_42 = tpu.memref_squeeze %dma_start3A_41 : memref<1x100xi32, #tpu.memory_space<vmem>> -> memref<100xi32, #tpu.memory_space<vmem>>
      %dma_start3A_43 = arith.constant 0 : i32
      %dma_start3A_44 = arith.constant 0 : i32
      %dma_start3A_45 = tpu.memref_slice %arg6[%dma_start3A_43, %dma_start3A_44] : memref<100000x64xf32, #tpu.memory_space<hbm>> -> memref<100000x64xf32, #tpu.memory_space<hbm>>
      tpu.enqueue_indirect_dma source(%dma_start3A_45 : memref<100000x64xf32, #tpu.memory_space<hbm>>) target(%dma_start3A_39 : memref<100x64xf32, #tpu.memory_space<vmem>>) offsets(%dma_start3A_42 : memref<100xi32, #tpu.memory_space<vmem>>) semaphore(%arg17 : memref<!tpu.dma_semaphore, #tpu.memory_space<semaphore_mem>>)
      %dma_start3A_46 = arith.constant 0 : i32
      %dma_start3A_47 = arith.constant 0 : i32
      %dma_start3A_48 = arith.constant 0 : i32
      %dma_start3A_49 = arith.constant 0 : i32
      %dma_start3A_50 = tpu.memref_slice %arg14[%dma_start3A_47, %dma_start3A_48, %dma_start3A_49] : memref<2x100x64xf32, #tpu.memory_space<vmem>> -> memref<1x100x64xf32, #tpu.memory_space<vmem>>
      %dma_start3A_51 = tpu.memref_squeeze %dma_start3A_50 : memref<1x100x64xf32, #tpu.memory_space<vmem>> -> memref<100x64xf32, #tpu.memory_space<vmem>>
      %dma_start3A_52 = arith.constant 0 : i32
      %dma_start3A_53 = tpu.memref_slice %arg10[%dma_start3A_46, %dma_start3A_52] : memref<16x100xi32, #tpu.memory_space<vmem>> -> memref<1x100xi32, #tpu.memory_space<vmem>>
      %dma_start3A_54 = tpu.memref_squeeze %dma_start3A_53 : memref<1x100xi32, #tpu.memory_space<vmem>> -> memref<100xi32, #tpu.memory_space<vmem>>
      %dma_start3A_55 = arith.constant 0 : i32
      %dma_start3A_56 = arith.constant 0 : i32
      %dma_start3A_57 = tpu.memref_slice %arg7[%dma_start3A_55, %dma_start3A_56] : memref<200000x64xf32, #tpu.memory_space<hbm>> -> memref<200000x64xf32, #tpu.memory_space<hbm>>
      tpu.enqueue_indirect_dma source(%dma_start3A_57 : memref<200000x64xf32, #tpu.memory_space<hbm>>) target(%dma_start3A_51 : memref<100x64xf32, #tpu.memory_space<vmem>>) offsets(%dma_start3A_54 : memref<100xi32, #tpu.memory_space<vmem>>) semaphore(%arg17 : memref<!tpu.dma_semaphore, #tpu.memory_space<semaphore_mem>>)
      %scan3A_58 = arith.constant 0 : i32
      %scan3A_59 = arith.constant 0 : i32
      %scan3A_60 = arith.constant 8 : i32
      %scan3A_61 = arith.addi %scan3A_59, %scan3A_60 : i32
      %scan3A_62 = arith.constant 1 : i32
      scf.for %scan3A_64 = %scan3A_59 to %scan3A_61 step %scan3A_62  : i32 {
        %mul3A_65 = arith.constant 2 : i32
        %mul3A_66 = arith.muli %mul3A_65, %scan3A_64 : i32
        %add3A_67 = arith.constant 0 : i32
        %add3A_68 = arith.addi %mul3A_66, %add3A_67 : i32
        %mul3A_69 = arith.constant 16 : i32
        %mul3A_70 = arith.muli %scan3A_31, %mul3A_69 : i32
        %add3A_71 = arith.addi %mul3A_70, %add3A_68 : i32
        %add3A_72 = arith.constant 1 : i32
        %add3A_73 = arith.addi %add3A_68, %add3A_72 : i32
        %lt3A = arith.constant 16 : i32
        %lt3A_74 = arith.cmpi slt, %add3A_73, %lt3A : i32
        %convert_element_type3A = arith.extui %lt3A_74 : i1 to i32
        %cond3A = arith.constant 0 : i32
        %cond3A_75 = arith.cmpi ne, %convert_element_type3A, %cond3A : i32
        scf.if %cond3A_75 {
          %add3A_196 = arith.constant 1 : i32
          %add3A_197 = arith.addi %add3A_68, %add3A_196 : i32
          %dma_start3A_198 = arith.constant 1 : i32
          %dma_start3A_199 = arith.constant 0 : i32
          %dma_start3A_200 = arith.constant 0 : i32
          %dma_start3A_201 = tpu.memref_slice %arg13[%dma_start3A_198, %dma_start3A_199, %dma_start3A_200] : memref<2x100x64xf32, #tpu.memory_space<vmem>> -> memref<1x100x64xf32, #tpu.memory_space<vmem>>
          %dma_start3A_202 = tpu.memref_squeeze %dma_start3A_201 : memref<1x100x64xf32, #tpu.memory_space<vmem>> -> memref<100x64xf32, #tpu.memory_space<vmem>>
          %dma_start3A_203 = arith.constant 0 : i32
          %dma_start3A_204 = tpu.memref_slice %arg9[%add3A_197, %dma_start3A_203] : memref<16x100xi32, #tpu.memory_space<vmem>> -> memref<1x100xi32, #tpu.memory_space<vmem>>
          %dma_start3A_205 = tpu.memref_squeeze %dma_start3A_204 : memref<1x100xi32, #tpu.memory_space<vmem>> -> memref<100xi32, #tpu.memory_space<vmem>>
          %dma_start3A_206 = arith.constant 0 : i32
          %dma_start3A_207 = arith.constant 0 : i32
          %dma_start3A_208 = tpu.memref_slice %arg6[%dma_start3A_206, %dma_start3A_207] : memref<100000x64xf32, #tpu.memory_space<hbm>> -> memref<100000x64xf32, #tpu.memory_space<hbm>>
          tpu.enqueue_indirect_dma source(%dma_start3A_208 : memref<100000x64xf32, #tpu.memory_space<hbm>>) target(%dma_start3A_202 : memref<100x64xf32, #tpu.memory_space<vmem>>) offsets(%dma_start3A_205 : memref<100xi32, #tpu.memory_space<vmem>>) semaphore(%arg18 : memref<!tpu.dma_semaphore, #tpu.memory_space<semaphore_mem>>)
          %dma_start3A_209 = arith.constant 1 : i32
          %dma_start3A_210 = arith.constant 0 : i32
          %dma_start3A_211 = arith.constant 0 : i32
          %dma_start3A_212 = tpu.memref_slice %arg14[%dma_start3A_209, %dma_start3A_210, %dma_start3A_211] : memref<2x100x64xf32, #tpu.memory_space<vmem>> -> memref<1x100x64xf32, #tpu.memory_space<vmem>>
          %dma_start3A_213 = tpu.memref_squeeze %dma_start3A_212 : memref<1x100x64xf32, #tpu.memory_space<vmem>> -> memref<100x64xf32, #tpu.memory_space<vmem>>
          %dma_start3A_214 = arith.constant 0 : i32
          %dma_start3A_215 = tpu.memref_slice %arg10[%add3A_197, %dma_start3A_214] : memref<16x100xi32, #tpu.memory_space<vmem>> -> memref<1x100xi32, #tpu.memory_space<vmem>>
          %dma_start3A_216 = tpu.memref_squeeze %dma_start3A_215 : memref<1x100xi32, #tpu.memory_space<vmem>> -> memref<100xi32, #tpu.memory_space<vmem>>
          %dma_start3A_217 = arith.constant 0 : i32
          %dma_start3A_218 = arith.constant 0 : i32
          %dma_start3A_219 = tpu.memref_slice %arg7[%dma_start3A_217, %dma_start3A_218] : memref<200000x64xf32, #tpu.memory_space<hbm>> -> memref<200000x64xf32, #tpu.memory_space<hbm>>
          tpu.enqueue_indirect_dma source(%dma_start3A_219 : memref<200000x64xf32, #tpu.memory_space<hbm>>) target(%dma_start3A_213 : memref<100x64xf32, #tpu.memory_space<vmem>>) offsets(%dma_start3A_216 : memref<100xi32, #tpu.memory_space<vmem>>) semaphore(%arg18 : memref<!tpu.dma_semaphore, #tpu.memory_space<semaphore_mem>>)
        } else {
        }
        %dma_wait3A_76 = arith.constant 0 : i32
        %dma_wait3A_77 = arith.constant 0 : i32
        %dma_wait3A_78 = arith.constant 0 : i32
        %dma_wait3A_79 = tpu.memref_slice %arg13[%dma_wait3A_76, %dma_wait3A_77, %dma_wait3A_78] : memref<2x100x64xf32, #tpu.memory_space<vmem>> -> memref<1x100x64xf32, #tpu.memory_space<vmem>>
        %dma_wait3A_80 = tpu.memref_squeeze %dma_wait3A_79 : memref<1x100x64xf32, #tpu.memory_space<vmem>> -> memref<100x64xf32, #tpu.memory_space<vmem>>
        %dma_wait3A_81 = arith.constant 0 : i32
        %dma_wait3A_82 = tpu.memref_slice %arg9[%add3A_68, %dma_wait3A_81] : memref<16x100xi32, #tpu.memory_space<vmem>> -> memref<1x100xi32, #tpu.memory_space<vmem>>
        %dma_wait3A_83 = tpu.memref_squeeze %dma_wait3A_82 : memref<1x100xi32, #tpu.memory_space<vmem>> -> memref<100xi32, #tpu.memory_space<vmem>>
        %dma_wait3A_84 = arith.constant 0 : i32
        %dma_wait3A_85 = arith.constant 0 : i32
        %dma_wait3A_86 = tpu.memref_slice %arg6[%dma_wait3A_84, %dma_wait3A_85] : memref<100000x64xf32, #tpu.memory_space<hbm>> -> memref<100000x64xf32, #tpu.memory_space<hbm>>
        tpu.wait_indirect_dma semaphore(%arg17 : memref<!tpu.dma_semaphore, #tpu.memory_space<semaphore_mem>>) src(%dma_wait3A_86 : memref<100000x64xf32, #tpu.memory_space<hbm>>) dst(%dma_wait3A_80 : memref<100x64xf32, #tpu.memory_space<vmem>>)
        %dma_wait3A_87 = arith.constant 0 : i32
        %dma_wait3A_88 = arith.constant 0 : i32
        %dma_wait3A_89 = arith.constant 0 : i32
        %dma_wait3A_90 = tpu.memref_slice %arg14[%dma_wait3A_87, %dma_wait3A_88, %dma_wait3A_89] : memref<2x100x64xf32, #tpu.memory_space<vmem>> -> memref<1x100x64xf32, #tpu.memory_space<vmem>>
        %dma_wait3A_91 = tpu.memref_squeeze %dma_wait3A_90 : memref<1x100x64xf32, #tpu.memory_space<vmem>> -> memref<100x64xf32, #tpu.memory_space<vmem>>
        %dma_wait3A_92 = arith.constant 0 : i32
        %dma_wait3A_93 = tpu.memref_slice %arg10[%add3A_68, %dma_wait3A_92] : memref<16x100xi32, #tpu.memory_space<vmem>> -> memref<1x100xi32, #tpu.memory_space<vmem>>
        %dma_wait3A_94 = tpu.memref_squeeze %dma_wait3A_93 : memref<1x100xi32, #tpu.memory_space<vmem>> -> memref<100xi32, #tpu.memory_space<vmem>>
        %dma_wait3A_95 = arith.constant 0 : i32
        %dma_wait3A_96 = arith.constant 0 : i32
        %dma_wait3A_97 = tpu.memref_slice %arg7[%dma_wait3A_95, %dma_wait3A_96] : memref<200000x64xf32, #tpu.memory_space<hbm>> -> memref<200000x64xf32, #tpu.memory_space<hbm>>
        tpu.wait_indirect_dma semaphore(%arg17 : memref<!tpu.dma_semaphore, #tpu.memory_space<semaphore_mem>>) src(%dma_wait3A_97 : memref<200000x64xf32, #tpu.memory_space<hbm>>) dst(%dma_wait3A_91 : memref<100x64xf32, #tpu.memory_space<vmem>>)
        %ge3A = arith.constant 2 : i32
        %ge3A_98 = arith.cmpi sge, %add3A_71, %ge3A : i32
        %convert_element_type3A_99 = arith.extui %ge3A_98 : i1 to i32
        %cond3A_100 = arith.constant 0 : i32
        %cond3A_101 = arith.cmpi ne, %convert_element_type3A_99, %cond3A_100 : i32
        scf.if %cond3A_101 {
          %dma_wait3A_196 = arith.constant 0 : i32
          %dma_wait3A_197 = arith.constant 0 : i32
          %dma_wait3A_198 = arith.constant 0 : i32
          %dma_wait3A_199 = tpu.memref_slice %arg15[%dma_wait3A_196, %dma_wait3A_197, %dma_wait3A_198] : memref<2x100x64xf32, #tpu.memory_space<vmem>> -> memref<1x100x64xf32, #tpu.memory_space<vmem>>
          %dma_wait3A_200 = tpu.memref_squeeze %dma_wait3A_199 : memref<1x100x64xf32, #tpu.memory_space<vmem>> -> memref<100x64xf32, #tpu.memory_space<vmem>>
          %dma_wait3A_201 = arith.constant 0 : i32
          %dma_wait3A_202 = tpu.memref_slice %arg11[%add3A_68, %dma_wait3A_201] : memref<16x100xi32, #tpu.memory_space<vmem>> -> memref<1x100xi32, #tpu.memory_space<vmem>>
          %dma_wait3A_203 = tpu.memref_squeeze %dma_wait3A_202 : memref<1x100xi32, #tpu.memory_space<vmem>> -> memref<100xi32, #tpu.memory_space<vmem>>
          %dma_wait3A_204 = arith.constant 0 : i32
          %dma_wait3A_205 = arith.constant 0 : i32
          %dma_wait3A_206 = tpu.memref_slice %arg8[%dma_wait3A_204, %dma_wait3A_205] : memref<819200x64xf32, #tpu.memory_space<hbm>> -> memref<819200x64xf32, #tpu.memory_space<hbm>>
          tpu.wait_indirect_dma semaphore(%arg19 : memref<!tpu.dma_semaphore, #tpu.memory_space<semaphore_mem>>) src(%dma_wait3A_200 : memref<100x64xf32, #tpu.memory_space<vmem>>) dst(%dma_wait3A_206 : memref<819200x64xf32, #tpu.memory_space<hbm>>)
        } else {
        }
        %mul3A_102 = arith.constant 2 : i32
        %mul3A_103 = arith.muli %arg1, %mul3A_102 : i32
        %add3A_104 = arith.constant 0 : i32
        %add3A_105 = arith.addi %mul3A_103, %add3A_104 : i32
        %mul3A_106 = arith.constant 100 : i32
        %mul3A_107 = arith.muli %add3A_105, %mul3A_106 : i32
        %run_scoped3A = arith.constant 0 : i32
        "tpu.region"() ({
          %run_scoped3A_196 = tpu.sem_alloc : memref<!tpu.dma_semaphore, #tpu.memory_space<semaphore_mem>>
          %dma_start3A_197 = arith.constant 0 : i32
          %dma_start3A_198 = arith.constant 0 : i32
          %dma_start3A_199 = tpu.memref_slice %arg13[%run_scoped3A, %dma_start3A_197, %dma_start3A_198] : memref<2x100x64xf32, #tpu.memory_space<vmem>> -> memref<1x100x64xf32, #tpu.memory_space<vmem>>
          %dma_start3A_200 = tpu.memref_squeeze %dma_start3A_199 : memref<1x100x64xf32, #tpu.memory_space<vmem>> -> memref<100x64xf32, #tpu.memory_space<vmem>>
          %dma_start3A_201 = arith.constant 0 : i32
          %dma_start3A_202 = tpu.memref_slice %arg16[%mul3A_107, %dma_start3A_201] : memref<3200x64xf32, #tpu.memory_space<vmem_shared>> -> memref<100x64xf32, #tpu.memory_space<vmem_shared>>
          %dma_start3A_203 = arith.constant 0 : i32
          %dma_start3A_204 = tpu.memref_slice %arg16[%mul3A_107, %dma_start3A_203] : memref<3200x64xf32, #tpu.memory_space<vmem_shared>> -> memref<100x64xf32, #tpu.memory_space<vmem_shared>>
          %dma_start3A_205 = arith.constant 0 : i32
          %dma_start3A_206 = arith.constant 0 : i32
          %dma_start3A_207 = tpu.memref_slice %arg13[%run_scoped3A, %dma_start3A_205, %dma_start3A_206] : memref<2x100x64xf32, #tpu.memory_space<vmem>> -> memref<1x100x64xf32, #tpu.memory_space<vmem>>
          %dma_start3A_208 = tpu.memref_squeeze %dma_start3A_207 : memref<1x100x64xf32, #tpu.memory_space<vmem>> -> memref<100x64xf32, #tpu.memory_space<vmem>>
          tpu.enqueue_dma source(%dma_start3A_208 : memref<100x64xf32, #tpu.memory_space<vmem>>) target(%dma_start3A_204 : memref<100x64xf32, #tpu.memory_space<vmem_shared>>) target_semaphore(%run_scoped3A_196 : memref<!tpu.dma_semaphore, #tpu.memory_space<semaphore_mem>>)
          %dma_wait3A_209 = arith.constant 0 : i32
          %dma_wait3A_210 = arith.constant 0 : i32
          %dma_wait3A_211 = tpu.memref_slice %arg13[%run_scoped3A, %dma_wait3A_209, %dma_wait3A_210] : memref<2x100x64xf32, #tpu.memory_space<vmem>> -> memref<1x100x64xf32, #tpu.memory_space<vmem>>
          %dma_wait3A_212 = tpu.memref_squeeze %dma_wait3A_211 : memref<1x100x64xf32, #tpu.memory_space<vmem>> -> memref<100x64xf32, #tpu.memory_space<vmem>>
          %dma_wait3A_213 = arith.constant 0 : i32
          %dma_wait3A_214 = tpu.memref_slice %arg16[%mul3A_107, %dma_wait3A_213] : memref<3200x64xf32, #tpu.memory_space<vmem_shared>> -> memref<100x64xf32, #tpu.memory_space<vmem_shared>>
          %dma_wait3A_215 = arith.constant 0 : i32
          %dma_wait3A_216 = tpu.memref_slice %arg16[%mul3A_107, %dma_wait3A_215] : memref<3200x64xf32, #tpu.memory_space<vmem_shared>> -> memref<100x64xf32, #tpu.memory_space<vmem_shared>>
          %dma_wait3A_217 = arith.constant 0 : i32
          %dma_wait3A_218 = arith.constant 0 : i32
          %dma_wait3A_219 = tpu.memref_slice %arg13[%run_scoped3A, %dma_wait3A_217, %dma_wait3A_218] : memref<2x100x64xf32, #tpu.memory_space<vmem>> -> memref<1x100x64xf32, #tpu.memory_space<vmem>>
          %dma_wait3A_220 = tpu.memref_squeeze %dma_wait3A_219 : memref<1x100x64xf32, #tpu.memory_space<vmem>> -> memref<100x64xf32, #tpu.memory_space<vmem>>
          tpu.wait_dma2 semaphore(%run_scoped3A_196 : memref<!tpu.dma_semaphore, #tpu.memory_space<semaphore_mem>>) src(%dma_wait3A_220 : memref<100x64xf32, #tpu.memory_space<vmem>>) dst(%dma_wait3A_216 : memref<100x64xf32, #tpu.memory_space<vmem_shared>>)
          tpu.yield
        }) : () -> ()
        %run_scoped3A_108 = arith.constant 0 : i32
        %run_scoped3A_109 = arith.constant 0 : i32
        "tpu.region"() ({
          %run_scoped3A_196 = tpu.sem_alloc : memref<!tpu.dma_semaphore, #tpu.memory_space<semaphore_mem>>
          %dma_start3A_197 = arith.constant 0 : i32
          %dma_start3A_198 = arith.constant 0 : i32
          %dma_start3A_199 = tpu.memref_slice %arg14[%run_scoped3A_108, %dma_start3A_197, %dma_start3A_198] : memref<2x100x64xf32, #tpu.memory_space<vmem>> -> memref<1x100x64xf32, #tpu.memory_space<vmem>>
          %dma_start3A_200 = tpu.memref_squeeze %dma_start3A_199 : memref<1x100x64xf32, #tpu.memory_space<vmem>> -> memref<100x64xf32, #tpu.memory_space<vmem>>
          %dma_start3A_201 = arith.constant 0 : i32
          %dma_start3A_202 = tpu.memref_slice %arg12[%run_scoped3A_109, %dma_start3A_201] : memref<2x100xi32, #tpu.memory_space<vmem>> -> memref<1x100xi32, #tpu.memory_space<vmem>>
          %dma_start3A_203 = tpu.memref_squeeze %dma_start3A_202 : memref<1x100xi32, #tpu.memory_space<vmem>> -> memref<100xi32, #tpu.memory_space<vmem>>
          %dma_start3A_204 = arith.constant 0 : i32
          %dma_start3A_205 = arith.constant 0 : i32
          %dma_start3A_206 = tpu.memref_slice %arg16[%dma_start3A_204, %dma_start3A_205] : memref<3200x64xf32, #tpu.memory_space<vmem_shared>> -> memref<3200x64xf32, #tpu.memory_space<vmem_shared>>
          tpu.enqueue_indirect_dma source(%dma_start3A_200 : memref<100x64xf32, #tpu.memory_space<vmem>>) target(%dma_start3A_206 : memref<3200x64xf32, #tpu.memory_space<vmem_shared>>) offsets(%dma_start3A_203 : memref<100xi32, #tpu.memory_space<vmem>>) semaphore(%run_scoped3A_196 : memref<!tpu.dma_semaphore, #tpu.memory_space<semaphore_mem>>) {add = true}
          %dma_wait3A_207 = arith.constant 0 : i32
          %dma_wait3A_208 = arith.constant 0 : i32
          %dma_wait3A_209 = tpu.memref_slice %arg14[%run_scoped3A_108, %dma_wait3A_207, %dma_wait3A_208] : memref<2x100x64xf32, #tpu.memory_space<vmem>> -> memref<1x100x64xf32, #tpu.memory_space<vmem>>
          %dma_wait3A_210 = tpu.memref_squeeze %dma_wait3A_209 : memref<1x100x64xf32, #tpu.memory_space<vmem>> -> memref<100x64xf32, #tpu.memory_space<vmem>>
          %dma_wait3A_211 = arith.constant 0 : i32
          %dma_wait3A_212 = tpu.memref_slice %arg12[%run_scoped3A_109, %dma_wait3A_211] : memref<2x100xi32, #tpu.memory_space<vmem>> -> memref<1x100xi32, #tpu.memory_space<vmem>>
          %dma_wait3A_213 = tpu.memref_squeeze %dma_wait3A_212 : memref<1x100xi32, #tpu.memory_space<vmem>> -> memref<100xi32, #tpu.memory_space<vmem>>
          %dma_wait3A_214 = arith.constant 0 : i32
          %dma_wait3A_215 = arith.constant 0 : i32
          %dma_wait3A_216 = tpu.memref_slice %arg16[%dma_wait3A_214, %dma_wait3A_215] : memref<3200x64xf32, #tpu.memory_space<vmem_shared>> -> memref<3200x64xf32, #tpu.memory_space<vmem_shared>>
          tpu.wait_indirect_dma semaphore(%run_scoped3A_196 : memref<!tpu.dma_semaphore, #tpu.memory_space<semaphore_mem>>) src(%dma_wait3A_210 : memref<100x64xf32, #tpu.memory_space<vmem>>) dst(%dma_wait3A_216 : memref<3200x64xf32, #tpu.memory_space<vmem_shared>>)
          tpu.yield
        }) : () -> ()
        %mul3A_110 = arith.constant 2 : i32
        %mul3A_111 = arith.muli %arg1, %mul3A_110 : i32
        %add3A_112 = arith.constant 0 : i32
        %add3A_113 = arith.addi %mul3A_111, %add3A_112 : i32
        %mul3A_114 = arith.constant 100 : i32
        %mul3A_115 = arith.muli %add3A_113, %mul3A_114 : i32
        %run_scoped3A_116 = arith.constant 0 : i32
        "tpu.region"() ({
          %run_scoped3A_196 = tpu.sem_alloc : memref<!tpu.dma_semaphore, #tpu.memory_space<semaphore_mem>>
          %dma_start3A_197 = arith.constant 0 : i32
          %dma_start3A_198 = arith.constant 0 : i32
          %dma_start3A_199 = tpu.memref_slice %arg15[%run_scoped3A_116, %dma_start3A_197, %dma_start3A_198] : memref<2x100x64xf32, #tpu.memory_space<vmem>> -> memref<1x100x64xf32, #tpu.memory_space<vmem>>
          %dma_start3A_200 = tpu.memref_squeeze %dma_start3A_199 : memref<1x100x64xf32, #tpu.memory_space<vmem>> -> memref<100x64xf32, #tpu.memory_space<vmem>>
          %dma_start3A_201 = arith.constant 0 : i32
          %dma_start3A_202 = tpu.memref_slice %arg16[%mul3A_115, %dma_start3A_201] : memref<3200x64xf32, #tpu.memory_space<vmem_shared>> -> memref<100x64xf32, #tpu.memory_space<vmem_shared>>
          %dma_start3A_203 = arith.constant 0 : i32
          %dma_start3A_204 = arith.constant 0 : i32
          %dma_start3A_205 = tpu.memref_slice %arg15[%run_scoped3A_116, %dma_start3A_203, %dma_start3A_204] : memref<2x100x64xf32, #tpu.memory_space<vmem>> -> memref<1x100x64xf32, #tpu.memory_space<vmem>>
          %dma_start3A_206 = tpu.memref_squeeze %dma_start3A_205 : memref<1x100x64xf32, #tpu.memory_space<vmem>> -> memref<100x64xf32, #tpu.memory_space<vmem>>
          %dma_start3A_207 = arith.constant 0 : i32
          %dma_start3A_208 = tpu.memref_slice %arg16[%mul3A_115, %dma_start3A_207] : memref<3200x64xf32, #tpu.memory_space<vmem_shared>> -> memref<100x64xf32, #tpu.memory_space<vmem_shared>>
          tpu.enqueue_dma source(%dma_start3A_208 : memref<100x64xf32, #tpu.memory_space<vmem_shared>>) target(%dma_start3A_206 : memref<100x64xf32, #tpu.memory_space<vmem>>) target_semaphore(%run_scoped3A_196 : memref<!tpu.dma_semaphore, #tpu.memory_space<semaphore_mem>>)
          %dma_wait3A_209 = arith.constant 0 : i32
          %dma_wait3A_210 = arith.constant 0 : i32
          %dma_wait3A_211 = tpu.memref_slice %arg15[%run_scoped3A_116, %dma_wait3A_209, %dma_wait3A_210] : memref<2x100x64xf32, #tpu.memory_space<vmem>> -> memref<1x100x64xf32, #tpu.memory_space<vmem>>
          %dma_wait3A_212 = tpu.memref_squeeze %dma_wait3A_211 : memref<1x100x64xf32, #tpu.memory_space<vmem>> -> memref<100x64xf32, #tpu.memory_space<vmem>>
          %dma_wait3A_213 = arith.constant 0 : i32
          %dma_wait3A_214 = tpu.memref_slice %arg16[%mul3A_115, %dma_wait3A_213] : memref<3200x64xf32, #tpu.memory_space<vmem_shared>> -> memref<100x64xf32, #tpu.memory_space<vmem_shared>>
          %dma_wait3A_215 = arith.constant 0 : i32
          %dma_wait3A_216 = arith.constant 0 : i32
          %dma_wait3A_217 = tpu.memref_slice %arg15[%run_scoped3A_116, %dma_wait3A_215, %dma_wait3A_216] : memref<2x100x64xf32, #tpu.memory_space<vmem>> -> memref<1x100x64xf32, #tpu.memory_space<vmem>>
          %dma_wait3A_218 = tpu.memref_squeeze %dma_wait3A_217 : memref<1x100x64xf32, #tpu.memory_space<vmem>> -> memref<100x64xf32, #tpu.memory_space<vmem>>
          %dma_wait3A_219 = arith.constant 0 : i32
          %dma_wait3A_220 = tpu.memref_slice %arg16[%mul3A_115, %dma_wait3A_219] : memref<3200x64xf32, #tpu.memory_space<vmem_shared>> -> memref<100x64xf32, #tpu.memory_space<vmem_shared>>
          tpu.wait_dma2 semaphore(%run_scoped3A_196 : memref<!tpu.dma_semaphore, #tpu.memory_space<semaphore_mem>>) src(%dma_wait3A_220 : memref<100x64xf32, #tpu.memory_space<vmem_shared>>) dst(%dma_wait3A_218 : memref<100x64xf32, #tpu.memory_space<vmem>>)
          tpu.yield
        }) : () -> ()
        %dma_start3A_117 = arith.constant 0 : i32
        %dma_start3A_118 = arith.constant 0 : i32
        %dma_start3A_119 = arith.constant 0 : i32
        %dma_start3A_120 = tpu.memref_slice %arg15[%dma_start3A_117, %dma_start3A_118, %dma_start3A_119] : memref<2x100x64xf32, #tpu.memory_space<vmem>> -> memref<1x100x64xf32, #tpu.memory_space<vmem>>
        %dma_start3A_121 = tpu.memref_squeeze %dma_start3A_120 : memref<1x100x64xf32, #tpu.memory_space<vmem>> -> memref<100x64xf32, #tpu.memory_space<vmem>>
        %dma_start3A_122 = arith.constant 0 : i32
        %dma_start3A_123 = tpu.memref_slice %arg11[%add3A_68, %dma_start3A_122] : memref<16x100xi32, #tpu.memory_space<vmem>> -> memref<1x100xi32, #tpu.memory_space<vmem>>
        %dma_start3A_124 = tpu.memref_squeeze %dma_start3A_123 : memref<1x100xi32, #tpu.memory_space<vmem>> -> memref<100xi32, #tpu.memory_space<vmem>>
        %dma_start3A_125 = arith.constant 0 : i32
        %dma_start3A_126 = arith.constant 0 : i32
        %dma_start3A_127 = tpu.memref_slice %arg8[%dma_start3A_125, %dma_start3A_126] : memref<819200x64xf32, #tpu.memory_space<hbm>> -> memref<819200x64xf32, #tpu.memory_space<hbm>>
        tpu.enqueue_indirect_dma source(%dma_start3A_121 : memref<100x64xf32, #tpu.memory_space<vmem>>) target(%dma_start3A_127 : memref<819200x64xf32, #tpu.memory_space<hbm>>) offsets(%dma_start3A_124 : memref<100xi32, #tpu.memory_space<vmem>>) semaphore(%arg19 : memref<!tpu.dma_semaphore, #tpu.memory_space<semaphore_mem>>)
        %mul3A_128 = arith.constant 2 : i32
        %mul3A_129 = arith.muli %mul3A_128, %scan3A_64 : i32
        %add3A_130 = arith.constant 1 : i32
        %add3A_131 = arith.addi %mul3A_129, %add3A_130 : i32
        %mul3A_132 = arith.constant 16 : i32
        %mul3A_133 = arith.muli %scan3A_31, %mul3A_132 : i32
        %add3A_134 = arith.addi %mul3A_133, %add3A_131 : i32
        %add3A_135 = arith.constant 1 : i32
        %add3A_136 = arith.addi %add3A_131, %add3A_135 : i32
        %lt3A_137 = arith.constant 16 : i32
        %lt3A_138 = arith.cmpi slt, %add3A_136, %lt3A_137 : i32
        %convert_element_type3A_139 = arith.extui %lt3A_138 : i1 to i32
        %cond3A_140 = arith.constant 0 : i32
        %cond3A_141 = arith.cmpi ne, %convert_element_type3A_139, %cond3A_140 : i32
        scf.if %cond3A_141 {
          %add3A_196 = arith.constant 1 : i32
          %add3A_197 = arith.addi %add3A_131, %add3A_196 : i32
          %dma_start3A_198 = arith.constant 0 : i32
          %dma_start3A_199 = arith.constant 0 : i32
          %dma_start3A_200 = arith.constant 0 : i32
          %dma_start3A_201 = tpu.memref_slice %arg13[%dma_start3A_198, %dma_start3A_199, %dma_start3A_200] : memref<2x100x64xf32, #tpu.memory_space<vmem>> -> memref<1x100x64xf32, #tpu.memory_space<vmem>>
          %dma_start3A_202 = tpu.memref_squeeze %dma_start3A_201 : memref<1x100x64xf32, #tpu.memory_space<vmem>> -> memref<100x64xf32, #tpu.memory_space<vmem>>
          %dma_start3A_203 = arith.constant 0 : i32
          %dma_start3A_204 = tpu.memref_slice %arg9[%add3A_197, %dma_start3A_203] : memref<16x100xi32, #tpu.memory_space<vmem>> -> memref<1x100xi32, #tpu.memory_space<vmem>>
          %dma_start3A_205 = tpu.memref_squeeze %dma_start3A_204 : memref<1x100xi32, #tpu.memory_space<vmem>> -> memref<100xi32, #tpu.memory_space<vmem>>
          %dma_start3A_206 = arith.constant 0 : i32
          %dma_start3A_207 = arith.constant 0 : i32
          %dma_start3A_208 = tpu.memref_slice %arg6[%dma_start3A_206, %dma_start3A_207] : memref<100000x64xf32, #tpu.memory_space<hbm>> -> memref<100000x64xf32, #tpu.memory_space<hbm>>
          tpu.enqueue_indirect_dma source(%dma_start3A_208 : memref<100000x64xf32, #tpu.memory_space<hbm>>) target(%dma_start3A_202 : memref<100x64xf32, #tpu.memory_space<vmem>>) offsets(%dma_start3A_205 : memref<100xi32, #tpu.memory_space<vmem>>) semaphore(%arg17 : memref<!tpu.dma_semaphore, #tpu.memory_space<semaphore_mem>>)
          %dma_start3A_209 = arith.constant 0 : i32
          %dma_start3A_210 = arith.constant 0 : i32
          %dma_start3A_211 = arith.constant 0 : i32
          %dma_start3A_212 = tpu.memref_slice %arg14[%dma_start3A_209, %dma_start3A_210, %dma_start3A_211] : memref<2x100x64xf32, #tpu.memory_space<vmem>> -> memref<1x100x64xf32, #tpu.memory_space<vmem>>
          %dma_start3A_213 = tpu.memref_squeeze %dma_start3A_212 : memref<1x100x64xf32, #tpu.memory_space<vmem>> -> memref<100x64xf32, #tpu.memory_space<vmem>>
          %dma_start3A_214 = arith.constant 0 : i32
          %dma_start3A_215 = tpu.memref_slice %arg10[%add3A_197, %dma_start3A_214] : memref<16x100xi32, #tpu.memory_space<vmem>> -> memref<1x100xi32, #tpu.memory_space<vmem>>
          %dma_start3A_216 = tpu.memref_squeeze %dma_start3A_215 : memref<1x100xi32, #tpu.memory_space<vmem>> -> memref<100xi32, #tpu.memory_space<vmem>>
          %dma_start3A_217 = arith.constant 0 : i32
          %dma_start3A_218 = arith.constant 0 : i32
          %dma_start3A_219 = tpu.memref_slice %arg7[%dma_start3A_217, %dma_start3A_218] : memref<200000x64xf32, #tpu.memory_space<hbm>> -> memref<200000x64xf32, #tpu.memory_space<hbm>>
          tpu.enqueue_indirect_dma source(%dma_start3A_219 : memref<200000x64xf32, #tpu.memory_space<hbm>>) target(%dma_start3A_213 : memref<100x64xf32, #tpu.memory_space<vmem>>) offsets(%dma_start3A_216 : memref<100xi32, #tpu.memory_space<vmem>>) semaphore(%arg17 : memref<!tpu.dma_semaphore, #tpu.memory_space<semaphore_mem>>)
        } else {
        }
        %dma_wait3A_142 = arith.constant 1 : i32
        %dma_wait3A_143 = arith.constant 0 : i32
        %dma_wait3A_144 = arith.constant 0 : i32
        %dma_wait3A_145 = tpu.memref_slice %arg13[%dma_wait3A_142, %dma_wait3A_143, %dma_wait3A_144] : memref<2x100x64xf32, #tpu.memory_space<vmem>> -> memref<1x100x64xf32, #tpu.memory_space<vmem>>
        %dma_wait3A_146 = tpu.memref_squeeze %dma_wait3A_145 : memref<1x100x64xf32, #tpu.memory_space<vmem>> -> memref<100x64xf32, #tpu.memory_space<vmem>>
        %dma_wait3A_147 = arith.constant 0 : i32
        %dma_wait3A_148 = tpu.memref_slice %arg9[%add3A_131, %dma_wait3A_147] : memref<16x100xi32, #tpu.memory_space<vmem>> -> memref<1x100xi32, #tpu.memory_space<vmem>>
        %dma_wait3A_149 = tpu.memref_squeeze %dma_wait3A_148 : memref<1x100xi32, #tpu.memory_space<vmem>> -> memref<100xi32, #tpu.memory_space<vmem>>
        %dma_wait3A_150 = arith.constant 0 : i32
        %dma_wait3A_151 = arith.constant 0 : i32
        %dma_wait3A_152 = tpu.memref_slice %arg6[%dma_wait3A_150, %dma_wait3A_151] : memref<100000x64xf32, #tpu.memory_space<hbm>> -> memref<100000x64xf32, #tpu.memory_space<hbm>>
        tpu.wait_indirect_dma semaphore(%arg18 : memref<!tpu.dma_semaphore, #tpu.memory_space<semaphore_mem>>) src(%dma_wait3A_152 : memref<100000x64xf32, #tpu.memory_space<hbm>>) dst(%dma_wait3A_146 : memref<100x64xf32, #tpu.memory_space<vmem>>)
        %dma_wait3A_153 = arith.constant 1 : i32
        %dma_wait3A_154 = arith.constant 0 : i32
        %dma_wait3A_155 = arith.constant 0 : i32
        %dma_wait3A_156 = tpu.memref_slice %arg14[%dma_wait3A_153, %dma_wait3A_154, %dma_wait3A_155] : memref<2x100x64xf32, #tpu.memory_space<vmem>> -> memref<1x100x64xf32, #tpu.memory_space<vmem>>
        %dma_wait3A_157 = tpu.memref_squeeze %dma_wait3A_156 : memref<1x100x64xf32, #tpu.memory_space<vmem>> -> memref<100x64xf32, #tpu.memory_space<vmem>>
        %dma_wait3A_158 = arith.constant 0 : i32
        %dma_wait3A_159 = tpu.memref_slice %arg10[%add3A_131, %dma_wait3A_158] : memref<16x100xi32, #tpu.memory_space<vmem>> -> memref<1x100xi32, #tpu.memory_space<vmem>>
        %dma_wait3A_160 = tpu.memref_squeeze %dma_wait3A_159 : memref<1x100xi32, #tpu.memory_space<vmem>> -> memref<100xi32, #tpu.memory_space<vmem>>
        %dma_wait3A_161 = arith.constant 0 : i32
        %dma_wait3A_162 = arith.constant 0 : i32
        %dma_wait3A_163 = tpu.memref_slice %arg7[%dma_wait3A_161, %dma_wait3A_162] : memref<200000x64xf32, #tpu.memory_space<hbm>> -> memref<200000x64xf32, #tpu.memory_space<hbm>>
        tpu.wait_indirect_dma semaphore(%arg18 : memref<!tpu.dma_semaphore, #tpu.memory_space<semaphore_mem>>) src(%dma_wait3A_163 : memref<200000x64xf32, #tpu.memory_space<hbm>>) dst(%dma_wait3A_157 : memref<100x64xf32, #tpu.memory_space<vmem>>)
        %ge3A_164 = arith.constant 2 : i32
        %ge3A_165 = arith.cmpi sge, %add3A_134, %ge3A_164 : i32
        %convert_element_type3A_166 = arith.extui %ge3A_165 : i1 to i32
        %cond3A_167 = arith.constant 0 : i32
        %cond3A_168 = arith.cmpi ne, %convert_element_type3A_166, %cond3A_167 : i32
        scf.if %cond3A_168 {
          %dma_wait3A_196 = arith.constant 1 : i32
          %dma_wait3A_197 = arith.constant 0 : i32
          %dma_wait3A_198 = arith.constant 0 : i32
          %dma_wait3A_199 = tpu.memref_slice %arg15[%dma_wait3A_196, %dma_wait3A_197, %dma_wait3A_198] : memref<2x100x64xf32, #tpu.memory_space<vmem>> -> memref<1x100x64xf32, #tpu.memory_space<vmem>>
          %dma_wait3A_200 = tpu.memref_squeeze %dma_wait3A_199 : memref<1x100x64xf32, #tpu.memory_space<vmem>> -> memref<100x64xf32, #tpu.memory_space<vmem>>
          %dma_wait3A_201 = arith.constant 0 : i32
          %dma_wait3A_202 = tpu.memref_slice %arg11[%add3A_131, %dma_wait3A_201] : memref<16x100xi32, #tpu.memory_space<vmem>> -> memref<1x100xi32, #tpu.memory_space<vmem>>
          %dma_wait3A_203 = tpu.memref_squeeze %dma_wait3A_202 : memref<1x100xi32, #tpu.memory_space<vmem>> -> memref<100xi32, #tpu.memory_space<vmem>>
          %dma_wait3A_204 = arith.constant 0 : i32
          %dma_wait3A_205 = arith.constant 0 : i32
          %dma_wait3A_206 = tpu.memref_slice %arg8[%dma_wait3A_204, %dma_wait3A_205] : memref<819200x64xf32, #tpu.memory_space<hbm>> -> memref<819200x64xf32, #tpu.memory_space<hbm>>
          tpu.wait_indirect_dma semaphore(%arg20 : memref<!tpu.dma_semaphore, #tpu.memory_space<semaphore_mem>>) src(%dma_wait3A_200 : memref<100x64xf32, #tpu.memory_space<vmem>>) dst(%dma_wait3A_206 : memref<819200x64xf32, #tpu.memory_space<hbm>>)
        } else {
        }
        %mul3A_169 = arith.constant 2 : i32
        %mul3A_170 = arith.muli %arg1, %mul3A_169 : i32
        %add3A_171 = arith.constant 1 : i32
        %add3A_172 = arith.addi %mul3A_170, %add3A_171 : i32
        %mul3A_173 = arith.constant 100 : i32
        %mul3A_174 = arith.muli %add3A_172, %mul3A_173 : i32
        %run_scoped3A_175 = arith.constant 1 : i32
        "tpu.region"() ({
          %run_scoped3A_196 = tpu.sem_alloc : memref<!tpu.dma_semaphore, #tpu.memory_space<semaphore_mem>>
          %dma_start3A_197 = arith.constant 0 : i32
          %dma_start3A_198 = arith.constant 0 : i32
          %dma_start3A_199 = tpu.memref_slice %arg13[%run_scoped3A_175, %dma_start3A_197, %dma_start3A_198] : memref<2x100x64xf32, #tpu.memory_space<vmem>> -> memref<1x100x64xf32, #tpu.memory_space<vmem>>
          %dma_start3A_200 = tpu.memref_squeeze %dma_start3A_199 : memref<1x100x64xf32, #tpu.memory_space<vmem>> -> memref<100x64xf32, #tpu.memory_space<vmem>>
          %dma_start3A_201 = arith.constant 0 : i32
          %dma_start3A_202 = tpu.memref_slice %arg16[%mul3A_174, %dma_start3A_201] : memref<3200x64xf32, #tpu.memory_space<vmem_shared>> -> memref<100x64xf32, #tpu.memory_space<vmem_shared>>
          %dma_start3A_203 = arith.constant 0 : i32
          %dma_start3A_204 = tpu.memref_slice %arg16[%mul3A_174, %dma_start3A_203] : memref<3200x64xf32, #tpu.memory_space<vmem_shared>> -> memref<100x64xf32, #tpu.memory_space<vmem_shared>>
          %dma_start3A_205 = arith.constant 0 : i32
          %dma_start3A_206 = arith.constant 0 : i32
          %dma_start3A_207 = tpu.memref_slice %arg13[%run_scoped3A_175, %dma_start3A_205, %dma_start3A_206] : memref<2x100x64xf32, #tpu.memory_space<vmem>> -> memref<1x100x64xf32, #tpu.memory_space<vmem>>
          %dma_start3A_208 = tpu.memref_squeeze %dma_start3A_207 : memref<1x100x64xf32, #tpu.memory_space<vmem>> -> memref<100x64xf32, #tpu.memory_space<vmem>>
          tpu.enqueue_dma source(%dma_start3A_208 : memref<100x64xf32, #tpu.memory_space<vmem>>) target(%dma_start3A_204 : memref<100x64xf32, #tpu.memory_space<vmem_shared>>) target_semaphore(%run_scoped3A_196 : memref<!tpu.dma_semaphore, #tpu.memory_space<semaphore_mem>>)
          %dma_wait3A_209 = arith.constant 0 : i32
          %dma_wait3A_210 = arith.constant 0 : i32
          %dma_wait3A_211 = tpu.memref_slice %arg13[%run_scoped3A_175, %dma_wait3A_209, %dma_wait3A_210] : memref<2x100x64xf32, #tpu.memory_space<vmem>> -> memref<1x100x64xf32, #tpu.memory_space<vmem>>
          %dma_wait3A_212 = tpu.memref_squeeze %dma_wait3A_211 : memref<1x100x64xf32, #tpu.memory_space<vmem>> -> memref<100x64xf32, #tpu.memory_space<vmem>>
          %dma_wait3A_213 = arith.constant 0 : i32
          %dma_wait3A_214 = tpu.memref_slice %arg16[%mul3A_174, %dma_wait3A_213] : memref<3200x64xf32, #tpu.memory_space<vmem_shared>> -> memref<100x64xf32, #tpu.memory_space<vmem_shared>>
          %dma_wait3A_215 = arith.constant 0 : i32
          %dma_wait3A_216 = tpu.memref_slice %arg16[%mul3A_174, %dma_wait3A_215] : memref<3200x64xf32, #tpu.memory_space<vmem_shared>> -> memref<100x64xf32, #tpu.memory_space<vmem_shared>>
          %dma_wait3A_217 = arith.constant 0 : i32
          %dma_wait3A_218 = arith.constant 0 : i32
          %dma_wait3A_219 = tpu.memref_slice %arg13[%run_scoped3A_175, %dma_wait3A_217, %dma_wait3A_218] : memref<2x100x64xf32, #tpu.memory_space<vmem>> -> memref<1x100x64xf32, #tpu.memory_space<vmem>>
          %dma_wait3A_220 = tpu.memref_squeeze %dma_wait3A_219 : memref<1x100x64xf32, #tpu.memory_space<vmem>> -> memref<100x64xf32, #tpu.memory_space<vmem>>
          tpu.wait_dma2 semaphore(%run_scoped3A_196 : memref<!tpu.dma_semaphore, #tpu.memory_space<semaphore_mem>>) src(%dma_wait3A_220 : memref<100x64xf32, #tpu.memory_space<vmem>>) dst(%dma_wait3A_216 : memref<100x64xf32, #tpu.memory_space<vmem_shared>>)
          tpu.yield
        }) : () -> ()
        %run_scoped3A_176 = arith.constant 1 : i32
        %run_scoped3A_177 = arith.constant 1 : i32
        "tpu.region"() ({
          %run_scoped3A_196 = tpu.sem_alloc : memref<!tpu.dma_semaphore, #tpu.memory_space<semaphore_mem>>
          %dma_start3A_197 = arith.constant 0 : i32
          %dma_start3A_198 = arith.constant 0 : i32
          %dma_start3A_199 = tpu.memref_slice %arg14[%run_scoped3A_176, %dma_start3A_197, %dma_start3A_198] : memref<2x100x64xf32, #tpu.memory_space<vmem>> -> memref<1x100x64xf32, #tpu.memory_space<vmem>>
          %dma_start3A_200 = tpu.memref_squeeze %dma_start3A_199 : memref<1x100x64xf32, #tpu.memory_space<vmem>> -> memref<100x64xf32, #tpu.memory_space<vmem>>
          %dma_start3A_201 = arith.constant 0 : i32
          %dma_start3A_202 = tpu.memref_slice %arg12[%run_scoped3A_177, %dma_start3A_201] : memref<2x100xi32, #tpu.memory_space<vmem>> -> memref<1x100xi32, #tpu.memory_space<vmem>>
          %dma_start3A_203 = tpu.memref_squeeze %dma_start3A_202 : memref<1x100xi32, #tpu.memory_space<vmem>> -> memref<100xi32, #tpu.memory_space<vmem>>
          %dma_start3A_204 = arith.constant 0 : i32
          %dma_start3A_205 = arith.constant 0 : i32
          %dma_start3A_206 = tpu.memref_slice %arg16[%dma_start3A_204, %dma_start3A_205] : memref<3200x64xf32, #tpu.memory_space<vmem_shared>> -> memref<3200x64xf32, #tpu.memory_space<vmem_shared>>
          tpu.enqueue_indirect_dma source(%dma_start3A_200 : memref<100x64xf32, #tpu.memory_space<vmem>>) target(%dma_start3A_206 : memref<3200x64xf32, #tpu.memory_space<vmem_shared>>) offsets(%dma_start3A_203 : memref<100xi32, #tpu.memory_space<vmem>>) semaphore(%run_scoped3A_196 : memref<!tpu.dma_semaphore, #tpu.memory_space<semaphore_mem>>) {add = true}
          %dma_wait3A_207 = arith.constant 0 : i32
          %dma_wait3A_208 = arith.constant 0 : i32
          %dma_wait3A_209 = tpu.memref_slice %arg14[%run_scoped3A_176, %dma_wait3A_207, %dma_wait3A_208] : memref<2x100x64xf32, #tpu.memory_space<vmem>> -> memref<1x100x64xf32, #tpu.memory_space<vmem>>
          %dma_wait3A_210 = tpu.memref_squeeze %dma_wait3A_209 : memref<1x100x64xf32, #tpu.memory_space<vmem>> -> memref<100x64xf32, #tpu.memory_space<vmem>>
          %dma_wait3A_211 = arith.constant 0 : i32
          %dma_wait3A_212 = tpu.memref_slice %arg12[%run_scoped3A_177, %dma_wait3A_211] : memref<2x100xi32, #tpu.memory_space<vmem>> -> memref<1x100xi32, #tpu.memory_space<vmem>>
          %dma_wait3A_213 = tpu.memref_squeeze %dma_wait3A_212 : memref<1x100xi32, #tpu.memory_space<vmem>> -> memref<100xi32, #tpu.memory_space<vmem>>
          %dma_wait3A_214 = arith.constant 0 : i32
          %dma_wait3A_215 = arith.constant 0 : i32
          %dma_wait3A_216 = tpu.memref_slice %arg16[%dma_wait3A_214, %dma_wait3A_215] : memref<3200x64xf32, #tpu.memory_space<vmem_shared>> -> memref<3200x64xf32, #tpu.memory_space<vmem_shared>>
          tpu.wait_indirect_dma semaphore(%run_scoped3A_196 : memref<!tpu.dma_semaphore, #tpu.memory_space<semaphore_mem>>) src(%dma_wait3A_210 : memref<100x64xf32, #tpu.memory_space<vmem>>) dst(%dma_wait3A_216 : memref<3200x64xf32, #tpu.memory_space<vmem_shared>>)
          tpu.yield
        }) : () -> ()
        %mul3A_178 = arith.constant 2 : i32
        %mul3A_179 = arith.muli %arg1, %mul3A_178 : i32
        %add3A_180 = arith.constant 1 : i32
        %add3A_181 = arith.addi %mul3A_179, %add3A_180 : i32
        %mul3A_182 = arith.constant 100 : i32
        %mul3A_183 = arith.muli %add3A_181, %mul3A_182 : i32
        %run_scoped3A_184 = arith.constant 1 : i32
        "tpu.region"() ({
          %run_scoped3A_196 = tpu.sem_alloc : memref<!tpu.dma_semaphore, #tpu.memory_space<semaphore_mem>>
          %dma_start3A_197 = arith.constant 0 : i32
          %dma_start3A_198 = arith.constant 0 : i32
          %dma_start3A_199 = tpu.memref_slice %arg15[%run_scoped3A_184, %dma_start3A_197, %dma_start3A_198] : memref<2x100x64xf32, #tpu.memory_space<vmem>> -> memref<1x100x64xf32, #tpu.memory_space<vmem>>
          %dma_start3A_200 = tpu.memref_squeeze %dma_start3A_199 : memref<1x100x64xf32, #tpu.memory_space<vmem>> -> memref<100x64xf32, #tpu.memory_space<vmem>>
          %dma_start3A_201 = arith.constant 0 : i32
          %dma_start3A_202 = tpu.memref_slice %arg16[%mul3A_183, %dma_start3A_201] : memref<3200x64xf32, #tpu.memory_space<vmem_shared>> -> memref<100x64xf32, #tpu.memory_space<vmem_shared>>
          %dma_start3A_203 = arith.constant 0 : i32
          %dma_start3A_204 = arith.constant 0 : i32
          %dma_start3A_205 = tpu.memref_slice %arg15[%run_scoped3A_184, %dma_start3A_203, %dma_start3A_204] : memref<2x100x64xf32, #tpu.memory_space<vmem>> -> memref<1x100x64xf32, #tpu.memory_space<vmem>>
          %dma_start3A_206 = tpu.memref_squeeze %dma_start3A_205 : memref<1x100x64xf32, #tpu.memory_space<vmem>> -> memref<100x64xf32, #tpu.memory_space<vmem>>
          %dma_start3A_207 = arith.constant 0 : i32
          %dma_start3A_208 = tpu.memref_slice %arg16[%mul3A_183, %dma_start3A_207] : memref<3200x64xf32, #tpu.memory_space<vmem_shared>> -> memref<100x64xf32, #tpu.memory_space<vmem_shared>>
          tpu.enqueue_dma source(%dma_start3A_208 : memref<100x64xf32, #tpu.memory_space<vmem_shared>>) target(%dma_start3A_206 : memref<100x64xf32, #tpu.memory_space<vmem>>) target_semaphore(%run_scoped3A_196 : memref<!tpu.dma_semaphore, #tpu.memory_space<semaphore_mem>>)
          %dma_wait3A_209 = arith.constant 0 : i32
          %dma_wait3A_210 = arith.constant 0 : i32
          %dma_wait3A_211 = tpu.memref_slice %arg15[%run_scoped3A_184, %dma_wait3A_209, %dma_wait3A_210] : memref<2x100x64xf32, #tpu.memory_space<vmem>> -> memref<1x100x64xf32, #tpu.memory_space<vmem>>
          %dma_wait3A_212 = tpu.memref_squeeze %dma_wait3A_211 : memref<1x100x64xf32, #tpu.memory_space<vmem>> -> memref<100x64xf32, #tpu.memory_space<vmem>>
          %dma_wait3A_213 = arith.constant 0 : i32
          %dma_wait3A_214 = tpu.memref_slice %arg16[%mul3A_183, %dma_wait3A_213] : memref<3200x64xf32, #tpu.memory_space<vmem_shared>> -> memref<100x64xf32, #tpu.memory_space<vmem_shared>>
          %dma_wait3A_215 = arith.constant 0 : i32
          %dma_wait3A_216 = arith.constant 0 : i32
          %dma_wait3A_217 = tpu.memref_slice %arg15[%run_scoped3A_184, %dma_wait3A_215, %dma_wait3A_216] : memref<2x100x64xf32, #tpu.memory_space<vmem>> -> memref<1x100x64xf32, #tpu.memory_space<vmem>>
          %dma_wait3A_218 = tpu.memref_squeeze %dma_wait3A_217 : memref<1x100x64xf32, #tpu.memory_space<vmem>> -> memref<100x64xf32, #tpu.memory_space<vmem>>
          %dma_wait3A_219 = arith.constant 0 : i32
          %dma_wait3A_220 = tpu.memref_slice %arg16[%mul3A_183, %dma_wait3A_219] : memref<3200x64xf32, #tpu.memory_space<vmem_shared>> -> memref<100x64xf32, #tpu.memory_space<vmem_shared>>
          tpu.wait_dma2 semaphore(%run_scoped3A_196 : memref<!tpu.dma_semaphore, #tpu.memory_space<semaphore_mem>>) src(%dma_wait3A_220 : memref<100x64xf32, #tpu.memory_space<vmem_shared>>) dst(%dma_wait3A_218 : memref<100x64xf32, #tpu.memory_space<vmem>>)
          tpu.yield
        }) : () -> ()
        %dma_start3A_185 = arith.constant 1 : i32
        %dma_start3A_186 = arith.constant 0 : i32
        %dma_start3A_187 = arith.constant 0 : i32
        %dma_start3A_188 = tpu.memref_slice %arg15[%dma_start3A_185, %dma_start3A_186, %dma_start3A_187] : memref<2x100x64xf32, #tpu.memory_space<vmem>> -> memref<1x100x64xf32, #tpu.memory_space<vmem>>
        %dma_start3A_189 = tpu.memref_squeeze %dma_start3A_188 : memref<1x100x64xf32, #tpu.memory_space<vmem>> -> memref<100x64xf32, #tpu.memory_space<vmem>>
        %dma_start3A_190 = arith.constant 0 : i32
        %dma_start3A_191 = tpu.memref_slice %arg11[%add3A_131, %dma_start3A_190] : memref<16x100xi32, #tpu.memory_space<vmem>> -> memref<1x100xi32, #tpu.memory_space<vmem>>
        %dma_start3A_192 = tpu.memref_squeeze %dma_start3A_191 : memref<1x100xi32, #tpu.memory_space<vmem>> -> memref<100xi32, #tpu.memory_space<vmem>>
        %dma_start3A_193 = arith.constant 0 : i32
        %dma_start3A_194 = arith.constant 0 : i32
        %dma_start3A_195 = tpu.memref_slice %arg8[%dma_start3A_193, %dma_start3A_194] : memref<819200x64xf32, #tpu.memory_space<hbm>> -> memref<819200x64xf32, #tpu.memory_space<hbm>>
        tpu.enqueue_indirect_dma source(%dma_start3A_189 : memref<100x64xf32, #tpu.memory_space<vmem>>) target(%dma_start3A_195 : memref<819200x64xf32, #tpu.memory_space<hbm>>) offsets(%dma_start3A_192 : memref<100xi32, #tpu.memory_space<vmem>>) semaphore(%arg20 : memref<!tpu.dma_semaphore, #tpu.memory_space<semaphore_mem>>)
      }
      %scan3A_63 = arith.constant 8 : i32
    }
    %scan3A_7 = arith.constant 16 : i32
    %dma_wait3A = arith.constant 0 : i32
    %dma_wait3A_8 = arith.constant 14 : i32
    %dma_wait3A_9 = arith.constant 0 : i32
    %dma_wait3A_10 = arith.constant 0 : i32
    %dma_wait3A_11 = tpu.memref_slice %arg15[%dma_wait3A, %dma_wait3A_9, %dma_wait3A_10] : memref<2x100x64xf32, #tpu.memory_space<vmem>> -> memref<1x100x64xf32, #tpu.memory_space<vmem>>
    %dma_wait3A_12 = tpu.memref_squeeze %dma_wait3A_11 : memref<1x100x64xf32, #tpu.memory_space<vmem>> -> memref<100x64xf32, #tpu.memory_space<vmem>>
    %dma_wait3A_13 = arith.constant 0 : i32
    %dma_wait3A_14 = tpu.memref_slice %arg11[%dma_wait3A_8, %dma_wait3A_13] : memref<16x100xi32, #tpu.memory_space<vmem>> -> memref<1x100xi32, #tpu.memory_space<vmem>>
    %dma_wait3A_15 = tpu.memref_squeeze %dma_wait3A_14 : memref<1x100xi32, #tpu.memory_space<vmem>> -> memref<100xi32, #tpu.memory_space<vmem>>
    %dma_wait3A_16 = arith.constant 0 : i32
    %dma_wait3A_17 = arith.constant 0 : i32
    %dma_wait3A_18 = tpu.memref_slice %arg8[%dma_wait3A_16, %dma_wait3A_17] : memref<819200x64xf32, #tpu.memory_space<hbm>> -> memref<819200x64xf32, #tpu.memory_space<hbm>>
    tpu.wait_indirect_dma semaphore(%arg19 : memref<!tpu.dma_semaphore, #tpu.memory_space<semaphore_mem>>) src(%dma_wait3A_12 : memref<100x64xf32, #tpu.memory_space<vmem>>) dst(%dma_wait3A_18 : memref<819200x64xf32, #tpu.memory_space<hbm>>)
    %dma_wait3A_19 = arith.constant 1 : i32
    %dma_wait3A_20 = arith.constant 15 : i32
    %dma_wait3A_21 = arith.constant 0 : i32
    %dma_wait3A_22 = arith.constant 0 : i32
    %dma_wait3A_23 = tpu.memref_slice %arg15[%dma_wait3A_19, %dma_wait3A_21, %dma_wait3A_22] : memref<2x100x64xf32, #tpu.memory_space<vmem>> -> memref<1x100x64xf32, #tpu.memory_space<vmem>>
    %dma_wait3A_24 = tpu.memref_squeeze %dma_wait3A_23 : memref<1x100x64xf32, #tpu.memory_space<vmem>> -> memref<100x64xf32, #tpu.memory_space<vmem>>
    %dma_wait3A_25 = arith.constant 0 : i32
    %dma_wait3A_26 = tpu.memref_slice %arg11[%dma_wait3A_20, %dma_wait3A_25] : memref<16x100xi32, #tpu.memory_space<vmem>> -> memref<1x100xi32, #tpu.memory_space<vmem>>
    %dma_wait3A_27 = tpu.memref_squeeze %dma_wait3A_26 : memref<1x100xi32, #tpu.memory_space<vmem>> -> memref<100xi32, #tpu.memory_space<vmem>>
    %dma_wait3A_28 = arith.constant 0 : i32
    %dma_wait3A_29 = arith.constant 0 : i32
    %dma_wait3A_30 = tpu.memref_slice %arg8[%dma_wait3A_28, %dma_wait3A_29] : memref<819200x64xf32, #tpu.memory_space<hbm>> -> memref<819200x64xf32, #tpu.memory_space<hbm>>
    tpu.wait_indirect_dma semaphore(%arg20 : memref<!tpu.dma_semaphore, #tpu.memory_space<semaphore_mem>>) src(%dma_wait3A_24 : memref<100x64xf32, #tpu.memory_space<vmem>>) dst(%dma_wait3A_30 : memref<819200x64xf32, #tpu.memory_space<hbm>>)
    return
  }
}

module attributes {stable_mosaic.version = 14 : i64} {
  func.func @body(%arg0: i32, %arg1: memref<4096x128xf32, #tpu.memory_space<vmem>>, %arg2: memref<2x64x4096xf32, #tpu.memory_space<vmem>>) attributes {dimension_semantics = [#tpu.dimension_semantics<arbitrary>], iteration_bounds = array<i64: 100>, scalar_prefetch = 0 : i64, scratch_operands = 0 : i64, tpu.core_type = #tpu.core_type<tc>, window_params = [{transform_indices = @transform_0, window_bounds = array<i64: 4096, 128>}, {transform_indices = @transform_1, window_bounds = array<i64: 2, 64, 4096>}]} {
    %get3A = arith.constant 0 : index
    %get3A_0 = arith.constant 0 : index
    %get3A_1 = vector.load %arg1[%get3A, %get3A_0] : memref<4096x128xf32, #tpu.memory_space<vmem>>, vector<4096x128xf32>
    %transpose3A = tpu.transpose %get3A_1, [1, 0] : vector<4096x128xf32> -> vector<128x4096xf32>
    %reshape3A = vector.shape_cast %transpose3A : vector<128x4096xf32> to vector<2x64x4096xf32>
    %swap3A = arith.constant 0 : index
    %swap3A_2 = arith.constant 0 : index
    %swap3A_3 = arith.constant 0 : index
    %swap3A_4 = vector.load %arg2[%swap3A, %swap3A_2, %swap3A_3] : memref<2x64x4096xf32, #tpu.memory_space<vmem>>, vector<2x64x4096xf32>
    tpu.vector_store %arg2[%swap3A, %swap3A_2, %swap3A_3], %reshape3A {strides = array<i32>} : memref<2x64x4096xf32, #tpu.memory_space<vmem>>, vector<2x64x4096xf32>,
    return
  }
  func.func @transform_0(%arg0: i32) -> (i32, i32) {
    %c0_i32 = arith.constant 0 : i32
    %c0_i32_0 = arith.constant 0 : i32
    return %arg0, %c0_i32 : i32, i32
  }
  func.func @transform_1(%arg0: i32) -> (i32, i32, i32) {
    %c0_i32 = arith.constant 0 : i32
    %c0_i32_0 = arith.constant 0 : i32
    %c0_i32_1 = arith.constant 0 : i32
    return %arg0, %c0_i32, %c0_i32_0 : i32, i32, i32
  }
}

</mosaic_0001>

<sc_bundles>
// kernel: kernel.4.cloned.1.call-start
scs
__scs_entry_jumppad:
0x0: {  	(pc) =	sbr.rel $0x88, $3  }
0x1: {  	(tag) =	ssettag $0x0;
	lr =	simm.s32 $0x1  }
0x2: {  	[smem:$0x3F9C] =	sst lr;
	_ =	strace $0xD0000000  }
0x3: {  	_ = 	snop  }
0x4: {  	_ = 	snop  }
0x5: {  	_ = 	snop  }
0x6: {  	_ = 	snop  }
0x7: {  	_ = 	snop  }
__scs_overlays_trampoline_lowered:
0x8: {  	[smem:$0x3FAB] =	sst s0  }
0x9: {  	[smem:$0x3FAC] =	sst s1  }
0xa: {  	[smem:$0x3FAD] =	sst s2  }
0xb: {  	[smem:$0x3FAE] =	sst s3  }
0xc: {  	[smem:$0x3FAF] =	sst s4  }
0xd: {  	[smem:$0x3FB0] =	sst s5  }
0xe: {  	[smem:$0x3FB1] =	sst s6  }
0xf: {  	[smem:$0x3FB2] =	sst s7  }
0x10: {  	[smem:$0x3FB3] =	sst s8  }
0x11: {  	[smem:$0x3FB4] =	sst s9;
	s0 =	simm.s32 @!p0 $0x0  }
0x12: {  	s1 =	sld [smem:$0x3F9A];
	s0 =	simm.s32 @p0 $0x1  }
0x13: {  	[smem:$0x3FB5] =	sst s0;
	s0 =	simm.s32 @!p1 $0x0  }
0x14: {  	s2 =	sld [smem:$0x3F99];
	s0 =	simm.s32 @p1 $0x1  }
0x15: {  	[smem:$0x3FB6] =	sst s0;
	s0 =	simm.s32 @!p2 $0x0  }
0x16: {  	s3 =	sld [smem:$0x3FDB];
	s0 =	simm.s32 @p2 $0x1  }
0x17: {  	s4 =	simm.s32 $0x1BF5;
	[smem:$0x3FB8] =	sst s0  }
0x18: {  	s0 =	sld [smem:$0x3F9B];
	_ =	swait.ge [sflag:s4], $0x0  }
0x19: {  	s7 =	sld [smem:$0x3F9C]  }
0x1a: {  	s8 =	sadd.s32 $0xFFFFE003, lr  }
0x1b: {  	s9 =	sadd.s32 $0xFFFFFEF7, lr;
	s5 =	simm.s32 $0xFFFFFFFF;
	p2 =	slt.u32 s8, $0xFFFFF086  }
0x1c: {  	p1 =	slt.u32 s9, $0xF7A;
	s5 =	simm.s32 @!p2 $0x0  }
0x1d: {  	s5 =	simm.s32 @p1 $0x1;
	p0 =	seq.s32 s7, s2  }
0x1e: {  	s7 =	smul.u32 @!p0 $0xF7A, s2;
	p2 =	seq.s32 @!p0 s5, $0x0  }
0x1f: {  	s9 =	smul.u32 $0xF7A, s1;
	s8 =	simm.s32 @!p0 $0x1BF5;
	p2 =	por !p2, p0  }
0x20: {  	[sflag:s8] =	ssyncset.s32 @!p0 $0xFFFFF086;
	s6 =	sadd.s32 @!p0 s3, s7;
	s7 =	simm.s32 @!p0 $0x108  }
0x21: {  	s3 =	sadd.s32 s3, s9;
	s6 =	sadd.s32 @!p0 $0x88, s6;
	s7 =	simm.s32 @p2 $0x1082  }
0x22: {  	[simem:s7], [sflag:s8] =	dma.local @!p0 [hbm:s6], $0xF7A  }
0x23: {  	s9 =	sor.u32 $0xD0000000, s2;
	s6 =	simm.s32 $0x108;
	_ =	swait.ge @!p0 [sflag:s8], $0x0  }
0x24: {  	s3 =	sadd.s32 $0x88, s3;
	s6 =	simm.s32 @!p1 $0x1082;
	[sflag:s4] =	ssyncset.s32 $0xFFFFF086  }
0x25: {  	[simem:s6], [sflag:s4] =	dma.local [hbm:s3], $0xF7A  }
0x26: {  	[smem:$0x3F9C] =	sst s1;
	(tag) =	ssettag s2;
	_ =	strace s9  }
0x27: {  	s1 =	sld [smem:$0x3FAC]  }
0x28: {  	s2 =	sld [smem:$0x3FAD]  }
0x29: {  	s4 =	sld [smem:$0x3FAF]  }
0x2a: {  	p0 =	seq.s32 s5, $0x0;
	s5 =	sld [smem:$0x3FB0]  }
0x2b: {  	s6 =	sld [smem:$0x3FB1]  }
0x2c: {  	s7 =	sld [smem:$0x3FB2]  }
0x2d: {  	s3 =	simm.s32 $0x108;
	s8 =	sld [smem:$0x3FB3]  }
0x2e: {  	s3 =	simm.s32 @!p0 $0x1082;
	s9 =	sld [smem:$0x3FB4]  }
0x2f: {  	lr =	sadd.s32 s0, s3;
	s0 =	sld [smem:$0x3FAB]  }
0x30: {  	s3 =	sld [smem:$0x3FAE]  }
0x31: {  	[smem:$0x3FB7] =	sst s10  }
0x32: {  	s10 =	sld [smem:$0x3FB5];
	_ =	sdelay $0x3  }
0x33: {  	p0 =	seq.s32 s10, $0x1;
	s10 =	sld [smem:$0x3FB7];
	_ =	sdelay $0x3  }
0x34: {  	[smem:$0x3FB7] =	sst s10  }
0x35: {  	s10 =	sld [smem:$0x3FB6];
	_ =	sdelay $0x3  }
0x36: {  	p1 =	seq.s32 s10, $0x1;
	s10 =	sld [smem:$0x3FB7];
	_ =	sdelay $0x3  }
0x37: {  	[smem:$0x3FB7] =	sst s10  }
0x38: {  	s10 =	sld [smem:$0x3FB8]  }
0x39: {  	_ = 	snop;
	(pc) =	sbr.ind lr, $3  }
0x3a: {  	_ = 	snop  }
0x3b: {  	_ = 	snop  }
0x3c: {  	p2 =	seq.s32 s10, $0x1;
	s10 =	sld [smem:$0x3FB7]  }
0x3d: {  	_ =	shalt  }
0x3e: {  	_ =	shalt  }
0x3f: {  	_ =	shalt  }
0x40: {  	_ =	shalt  }
0x41: {  	_ =	shalt  }
0x42: {  	_ =	shalt  }
0x43: {  	_ =	shalt  }
0x44: {  	_ =	shalt  }
0x45: {  	_ =	shalt  }
0x46: {  	_ =	shalt  }
0x47: {  	_ =	shalt  }
0x48: {  	_ =	shalt  }
0x49: {  	_ =	shalt  }
0x4a: {  	_ =	shalt  }
0x4b: {  	_ =	shalt  }
0x4c: {  	_ =	shalt  }
0x4d: {  	_ =	shalt  }
0x4e: {  	_ =	shalt  }
0x4f: {  	_ =	shalt  }
0x50: {  	_ =	shalt  }
0x51: {  	_ =	shalt  }
0x52: {  	_ =	shalt  }
0x53: {  	_ =	shalt  }
0x54: {  	_ =	shalt  }
0x55: {  	_ =	shalt  }
0x56: {  	_ =	shalt  }
0x57: {  	_ =	shalt  }
0x58: {  	_ =	shalt  }
0x59: {  	_ =	shalt  }
0x5a: {  	_ =	shalt  }
0x5b: {  	_ =	shalt  }
0x5c: {  	_ =	shalt  }
0x5d: {  	_ =	shalt  }
0x5e: {  	_ =	shalt  }
0x5f: {  	_ =	shalt  }
0x60: {  	_ =	shalt  }
0x61: {  	_ =	shalt  }
0x62: {  	_ =	shalt  }
0x63: {  	_ =	shalt  }
0x64: {  	_ =	shalt  }
0x65: {  	_ =	shalt  }
0x66: {  	_ =	shalt  }
0x67: {  	_ =	shalt  }
0x68: {  	_ =	shalt  }
0x69: {  	_ =	shalt  }
0x6a: {  	_ =	shalt  }
0x6b: {  	_ =	shalt  }
0x6c: {  	_ =	shalt  }
0x6d: {  	_ =	shalt  }
0x6e: {  	_ =	shalt  }
0x6f: {  	_ =	shalt  }
0x70: {  	_ =	shalt  }
0x71: {  	_ =	shalt  }
0x72: {  	_ =	shalt  }
0x73: {  	_ =	shalt  }
0x74: {  	_ =	shalt  }
0x75: {  	_ =	shalt  }
0x76: {  	_ =	shalt  }
0x77: {  	_ =	shalt  }
0x78: {  	_ =	shalt  }
0x79: {  	_ =	shalt  }
0x7a: {  	_ =	shalt  }
0x7b: {  	_ =	shalt  }
0x7c: {  	_ =	shalt  }
0x7d: {  	_ =	shalt  }
0x7e: {  	_ =	shalt  }
0x7f: {  	_ =	shalt  }
0x80: {  	_ =	shalt  }
0x81: {  	_ =	shalt  }
0x82: {  	_ =	shalt  }
0x83: {  	_ =	shalt  }
0x84: {  	_ =	shalt  }
0x85: {  	_ =	shalt  }
0x86: {  	_ =	shalt  }
0x87: {  	_ =	shalt  }
.Lfunc_end0:
.L_simem_size_0:
called_computation_lowered:
.L_overlay_start_0:
0x88: {  	s2 =	sld [smem:$0x3FD9]  }
0x89: {  	s3 =	sld [smem:$0x3FFE];
	_ =	sdelay $0x1  }
0x8a: {  	s1 =	srdreg.scid  }
0x8b: {  	s0 =	sand.u32 $0x1, s1  }
0x8c: {  	s16 =	sshll.u32 s0, $0xA;
	s2 =	sadd.s32 s3, s2  }
0x8d: {  	s2 =	sadd.s32 s2, s16  }
0x8e: {  	[smem:$0x3FC3] =	sst s2  }
0x8f: {  	_ = 	snop  }
0x90: {  	(tm) =	ssettm $0x1  }
0x91: {  	s17 =	sld [smem:$0x3FFB];
	_ =	sdelay $0x3  }
0x92: {  	_ =	strace s17  }
0x93: {  	s2 =	sld [smem:$0x3FFC];
	_ =	sdelay $0x3  }
0x94: {  	_ =	strace s2  }
0x95: {  	s2 =	sld [smem:$0x3FFD];
	_ =	sdelay $0x3  }
0x96: {  	_ =	strace s2  }
0x97: {  	_ =	strace $0x8FFFFFFF  }
0x98: {  	s18 =	sld [smem:$0x3FDB];
	_ =	sdelay $0x1  }
0x99: {  	s19 =	simm.s32 $_scs_section_size  }
0x9a: {  	s4 =	simm.s32 $_size__tile_overlayer_lowered;
	s5 =	simm.s32 $_tile_overlayer_lowered  }
0x9b: {  	s22 =	simm.s32 $0x1BFF;
	s21 =	sshll.u32 s5, $0x1;
	s2 =	sadd.s32 s19, s18  }
0x9c: {  	s6 =	simm.s32 $0x0;
	s20 =	sshll.u32 s4, $0x1;
	s4 =	sadd.s32 s21, s2  }
0x9d: {  	[timem:s6], [sflag:s22] =	dma.local [hbm:s4], s20  }
0x9e: {  	_ =	swait.ge [sflag:s22], s20  }
0x9f: {  	s3 =	ssub.s32 $0x0, s20;
	[sflag:s22] =	ssyncset.done $0x0  }
0xa0: {  	[sflag:s22] =	ssyncadd.s32 s3;
	_ =	sdelay $0x1  }
0xa1: {  	s23 =	simm.s32 $0x1B8B  }
0xa2: {  	_ =	swait.ge [sflag:s23], $0x1  }
0xa3: {  	[sflag:s23] =	ssyncset.done $0x0  }
0xa4: {  	s25 =	simm.s32 $0x1B8E;
	s24 =	sld [smem:$0x3FFE];
	[sflag:s23] =	ssyncadd.s32 $0xFFFFFFFF  }
0xa5: {  	s26 =	simm.s32 $execute0_lowered;
	[smem:$0x3FD2] =	sst s25  }
0xa6: {  	s4 =	sshll.u32 s26, $0x1;
	_ =	strace $0x80000046;
	[dreg:$0x1] =	wrdreg $0xFFFFFFFF  }
0xa7: {  	s28 =	simm.s32 $_size_execute0_lowered;
	s2 =	sadd.s32 s2, s4;
	[dreg:$0x0] =	wrdreg $0x0  }
0xa8: {  	s4 =	sshll.u32 s28, $0x1;
	[dreg:$0x2] =	wrdreg s2  }
0xa9: {  	[dreg:$0x3] =	wrdreg s4  }
0xaa: {  	[dreg:$0x4] =	wrdreg $0xC0  }
0xab: {  	_ =	task [dreg:s6], $0x5FFFF  }
0xac: {  	[dreg:$0x1] =	wrdreg $0xFFFFFFFF  }
0xad: {  	[dreg:$0x0] =	wrdreg $0x60  }
0xae: {  	[dreg:$0x2] =	wrdreg s24  }
0xaf: {  	[dreg:$0x3] =	wrdreg $0xAA500  }
0xb0: {  	[dreg:$0x4] =	wrdreg $0x9  }
0xb1: {  	_ =	task.clear_ibuf [dreg:s6], $0x5FFFF;
	_ =	strace $0x90000046  }
0xb2: {  	s29 =	simm.s32 $0x9;
	_ =	strace $0x80000048  }
0xb3: {  	_ =	swait.ge [sflag:s29], $0x1  }
0xb4: {  	[sflag:s29] =	ssyncadd.s32 $0xFFFFFFFF  }
0xb5: {  	_ =	strace $0x90000048  }
0xb6: {  	_ =	sfence  }
0xb7: {  	s30 =	sld [smem:$0x0];
	_ =	sdelay $0x2  }
0xb8: {  	s31 =	sshll.u32 s1, $0xD;
	s1 =	sshrl.u32 s1, $0x2  }
0xb9: {  	s3 =	sand.u32 $0x4000, s31;
	s1 =	sadd.s32 s1, s30  }
0xba: {  	s0 =	sor.u32 s3, s0;
	s1 =	sshll.u32 s1, $0x11  }
0xbb: {  	s0 =	sor.u32 s1, s0  }
0xbc: {  	s0 =	sadd.s32 $0x8F2B, s0  }
0xbd: {  	[sflag:s0] =	ssyncadd.remote.s32 $0x1  }
0xbe: {  	_ =	sfence.sel $0xFFFF  }
0xbf: {  	[dreg:$0x0] =	wrdreg $0xFFFFFFFF;
	(pc) =	sbr.abs _section_cstart, $3  }
0xc0: {  	[dreg:$0x1] =	wrdreg $0xFFFFFFFF  }
0xc1: {  	_ =	task.clear_ibuf [dreg:s6], $0x2FFFF;
	_ =	strace $0x9FFFFFFF  }
0xc2: {  	(tm) =	ssettm $0x7FFFFFFF  }
0xc3: {  	_ =	shalt  }
tec
execute0_lowered:
.L_overlay_start_1:
0x0: {  	(tag) =	ssettag $0x1  }
0x1: {  	s0 =	rddreg [dreg:$0x0]  }
0x2: {  	s2 =	rddreg [dreg:$0x1];
	s1 =	simm.s32 $0x0;
	s6 =	stileid.u32  }
0x3: {  	s26 =	srdreg.scid;
	s15 =	simm.s32 $0x1380;
	s16 =	simm.s32 $0x5  }
0x4: {  	s17 =	simm.s32 $0x680;
	s19 =	simm.s32 $0x64;
	s20 =	simm.s32 $0x1450  }
0x5: {  	s21 =	simm.s32 $0x4650;
	s22 =	simm.s32 $0x2D50;
	s23 =	simm.s32 $0x5F50  }
0x6: {  	s28 =	simm.s32 $0x13E8;
	s29 =	simm.s32 $0x9150;
	[smem:$0x7FF] =	sst s1  }
0x7: {  	s24 =	smul.u32 $0x1A, s6;
	s3 =	sadd.s32 $0x36600, s0;
	s25 =	sadd.s32 $0x2600, s0  }
0x8: {  	s4 =	sadd.s32 $0x1C600, s0;
	s7 =	sadd.s32 $0x50600, s0;
	s5 =	smul.u32 $0xC800, s6  }
0x9: {  	s8 =	sadd.s32 $0x113C00, s0;
	_ =	strace $0x80000047;
	[dreg:$0x3] =	wrdreg s3  }
0xa: {  	s9 =	sadd.s32 $0x29A600, s0;
	s10 =	sshll.u32 s6, $0x9;
	[dreg:$0x4] =	wrdreg s25  }
0xb: {  	[dreg:$0x5] =	wrdreg s4;
	s3 =	sand.u32 $0x1, s26;
	s25 =	simm.s32 $0x7850  }
0xc: {  	s26 =	simm.s32 $0x2;
	s4 =	simm.s32 $0x0;
	s1 =	sadd.s32 s24, s0  }
0xd: {  	s30 =	ssub.s32 $0x2, s3;
	s3 =	sshll.u32 s3, $0x8;
	s5 =	sshrl.u32 s5, $0x2  }
0xe: {  	s24 =	simm.s32 $0x1;
	s31 =	sshrl.u32 s30, $0x1;
	s10 =	sor.u32 s3, s10  }
0xf: {  	s11 =	sadd.s32 s5, s2;
	s1 =	sadd.s32 $0x2400, s1;
	s0 =	ssub.s32 s30, s31  }
0x10: {  	s3 =	simm.s32 $0x4;
	[dreg:$0x6] =	wrdreg s1;
	s0 =	smax.u32 s0, $0x1  }
0x11: {  	s13 =	sadd.s32 $0x1900, s11;
	[dreg:$0x7] =	wrdreg s0;
	s0 =	simm.s32 $0x3  }
.LBB2_1:
0x12: {  	[dreg:$0x8] =	wrdreg s4  }
0x13: {  	s1 =	simm.s32 $0x0;
	s31 =	rddreg [dreg:$0x6]  }
0x14: {  	[tilespmem:s15], [sflag:$0x5] =	stream.linear.gather [hbm4b:s31+s1], $0xD0, $0x38;
	[tilespmem:$0xDC50] =	vst v63  }
0x15: {  	_ =	swait.ge [sflag:s16], $0xD0  }
0x16: {  	[sflag:s16] =	ssyncset.done $0x0  }
0x17: {  	s14 =	simm.s32 $0x0;
	s18 =	simm.s32 $0x0;
	[sflag:s16] =	ssyncadd.s32 $0xFFFFFF30  }
.LBB2_2:
0x18: {  	s1 =	sshll.u32 s18, $0x4  }
0x19: {  	s1 =	sadd.s32 s10, s1  }
0x1a: {  	s1 =	smul.u32 $0xD, s1  }
0x1b: {  	s4 =	rddreg [dreg:$0x3]  }
0x1c: {  	s5 =	simm.s32 $0x0;
	s4 =	sadd.s32 s4, s1  }
0x1d: {  	[tilespmem:s5], [sflag:$0x5] =	stream.linear.gather [hbm4b:s4+s5], $0x680, $0x38;
	[tilespmem:$0xDC50] =	vst v63  }
0x1e: {  	_ =	swait.ge [sflag:s16], $0x680  }
0x1f: {  	[sflag:s16] =	ssyncset.done $0x0;
	s12 =	rddreg [dreg:$0x4]  }
0x20: {  	[sflag:s16] =	ssyncadd.s32 $0xFFFFF980;
	s4 =	sadd.s32 s12, s1  }
0x21: {  	[tilespmem:s17], [sflag:$0x5] =	stream.linear.gather [hbm4b:s4+s5], $0x680, $0x38;
	[tilespmem:$0xDC50] =	vst v63  }
0x22: {  	_ =	swait.ge [sflag:s16], $0x680  }
0x23: {  	[sflag:s16] =	ssyncset.done $0x0;
	s6 =	rddreg [dreg:$0x5]  }
0x24: {  	s12 =	simm.s32 $0xD00;
	[sflag:s16] =	ssyncadd.s32 $0xFFFFF980;
	s1 =	sadd.s32 s6, s1  }
0x25: {  	[tilespmem:s12], [sflag:$0x5] =	stream.linear.gather [hbm4b:s1+s5], $0x680, $0x38;
	[tilespmem:$0xDC50] =	vst v63  }
0x26: {  	_ =	swait.ge [sflag:s16], $0x680  }
0x27: {  	[sflag:s16] =	ssyncset.done $0x0  }
0x28: {  	[sflag:s16] =	ssyncadd.s32 $0xFFFFF980  }
0x29: {  	[tilespmem:s20], [sflag:$0x1] =	stream.indirect.gather [hbm4b:s7+s19], $0x40, s5, s19, $0xb8;
	[tilespmem:$0xDC50] =	vst v63  }
0x2a: {  	_ = 	snop  }
0x2b: {  	[tilespmem:s21], [sflag:$0x1] =	stream.indirect.gather [hbm4b:s8+s19], $0x40, s17, s19, $0xb8;
	[tilespmem:$0xDC50] =	vst v63  }
0x2c: {  	s6 =	simm.s32 $0x68  }
0x2d: {  	[tilespmem:s22], [sflag:$0x2] =	stream.indirect.gather [hbm4b:s7+s19], $0x40, s6, s19, $0xb8;
	[tilespmem:$0xDC50] =	vst v63  }
0x2e: {  	s12 =	simm.s32 $0x6E8  }
0x2f: {  	[tilespmem:s23], [sflag:$0x2] =	stream.indirect.gather [hbm4b:s8+s19], $0x40, s12, s19, $0xb8;
	[tilespmem:$0xDC50] =	vst v63  }
0x30: {  	_ =	swait.ge [sflag:s24], $0x1900  }
0x31: {  	[sflag:s24] =	ssyncset.done $0x0  }
0x32: {  	[sflag:s24] =	ssyncadd.s32 $0xFFFFE700  }
0x33: {  	s4 =	sor.u32 s18, s5;
	_ =	swait.ge [sflag:s24], $0x1900  }
0x34: {  	p0 =	seq.s32 s4, $0x0;
	[sflag:s24] =	ssyncset.done $0x0  }
0x35: {  	s1 =	simm.s32 @!p0 $0x3;
	[sflag:s24] =	ssyncadd.s32 $0xFFFFE700  }
0x36: {  	_ =	swait.ge @!p0 [sflag:s1], $0x1900  }
0x37: {  	[sflag:s1] =	ssyncset.done @!p0 $0x0  }
0x38: {  	[sflag:s1] =	ssyncadd.s32 @!p0 $0xFFFFE700  }
0x39: {  	[spmem:s11] =	stream.linear.scatter [tilespmem:s20], [sflag:$0x5], $0x1900, $0x38;
	[tilespmem:$0xDC50] =	vst v63  }
0x3a: {  	_ =	swait.ge [sflag:s16], $0x1900  }
0x3b: {  	[sflag:s16] =	ssyncset.done $0x0  }
0x3c: {  	[sflag:s16] =	ssyncadd.s32 $0xFFFFE700  }
0x3d: {  	[spmem:s2] =	stream.indirect.scatter.add.f32 [tilespmem:s21], [sflag:$0x5], $0x40, s15, s19, $0xb8;
	[tilespmem:$0xDC50] =	vst v63  }
0x3e: {  	_ =	swait.ge [sflag:s16], $0x1900  }
0x3f: {  	[sflag:s16] =	ssyncset.done $0x0  }
0x40: {  	[sflag:s16] =	ssyncadd.s32 $0xFFFFE700  }
0x41: {  	[tilespmem:s25], [sflag:$0x5] =	stream.linear.gather [spmem:s11], $0x1900, $0x38;
	[tilespmem:$0xDC50] =	vst v63  }
0x42: {  	_ =	swait.ge [sflag:s16], $0x1900  }
0x43: {  	[sflag:s16] =	ssyncset.done $0x0  }
0x44: {  	s5 =	simm.s32 $0xD00;
	[sflag:s16] =	ssyncadd.s32 $0xFFFFE700  }
0x45: {  	[hbm4b:s9+s19] =	stream.indirect.scatter [tilespmem:s25], [sflag:$0x3], $0x40, s5, s19, $0xb8;
	[tilespmem:$0xDC50] =	vst v63  }
0x46: {  	s6 =	simm.s32 $0xD0  }
0x47: {  	[tilespmem:s20], [sflag:$0x1] =	stream.indirect.gather [hbm4b:s7+s19], $0x40, s6, s19, $0xb8;
	[tilespmem:$0xDC50] =	vst v63  }
0x48: {  	s12 =	simm.s32 $0x750  }
0x49: {  	[tilespmem:s21], [sflag:$0x1] =	stream.indirect.gather [hbm4b:s8+s19], $0x40, s12, s19, $0xb8;
	[tilespmem:$0xDC50] =	vst v63  }
0x4a: {  	_ =	swait.ge [sflag:s26], $0x1900  }
0x4b: {  	[sflag:s26] =	ssyncset.done $0x0  }
0x4c: {  	[sflag:s26] =	ssyncadd.s32 $0xFFFFE700  }
0x4d: {  	_ =	swait.ge [sflag:s26], $0x1900  }
0x4e: {  	p0 =	seq.s32 s14, $0x0;
	[sflag:s26] =	ssyncset.done $0x0  }
0x4f: {  	s1 =	simm.s32 @!p0 $0x4;
	[sflag:s26] =	ssyncadd.s32 $0xFFFFE700  }
0x50: {  	_ =	swait.ge @!p0 [sflag:s1], $0x1900  }
0x51: {  	[sflag:s1] =	ssyncset.done @!p0 $0x0  }
0x52: {  	[sflag:s1] =	ssyncadd.s32 @!p0 $0xFFFFE700  }
0x53: {  	[spmem:s13] =	stream.linear.scatter [tilespmem:s22], [sflag:$0x5], $0x1900, $0x38;
	[tilespmem:$0xDC50] =	vst v63  }
0x54: {  	_ =	swait.ge [sflag:s16], $0x1900  }
0x55: {  	[sflag:s16] =	ssyncset.done $0x0  }
0x56: {  	[sflag:s16] =	ssyncadd.s32 $0xFFFFE700  }
0x57: {  	[spmem:s2] =	stream.indirect.scatter.add.f32 [tilespmem:s23], [sflag:$0x5], $0x40, s28, s19, $0xb8;
	[tilespmem:$0xDC50] =	vst v63  }
0x58: {  	_ =	swait.ge [sflag:s16], $0x1900  }
0x59: {  	[sflag:s16] =	ssyncset.done $0x0  }
0x5a: {  	[sflag:s16] =	ssyncadd.s32 $0xFFFFE700  }
0x5b: {  	[tilespmem:s29], [sflag:$0x5] =	stream.linear.gather [spmem:s13], $0x1900, $0x38;
	[tilespmem:$0xDC50] =	vst v63  }
0x5c: {  	s31 =	simm.s32 $0x340;
	_ =	swait.ge [sflag:s16], $0x1900  }
0x5d: {  	s30 =	simm.s32 $0xD0;
	s4 =	simm.s32 $0xD68;
	[sflag:s16] =	ssyncset.done $0x0  }
0x5e: {  	s12 =	simm.s32 $0x680;
	s1 =	simm.s32 $0x1;
	[sflag:s16] =	ssyncadd.s32 $0xFFFFE700  }
.LBB2_3:
0x5f: {  	[hbm4b:s9+s19] =	stream.indirect.scatter [tilespmem:s29], [sflag:$0x4], $0x40, s4, s19, $0xb8;
	[tilespmem:$0xDC50] =	vst v63  }
0x60: {  	s4 =	smov.u32 s30;
	s5 =	smov.u32 s12  }
0x61: {  	s12 =	sadd.s32 $0x340, s12;
	s30 =	sshra.s32 s5, $0x2;
	s6 =	sadd.s32 $0x68, s4  }
0x62: {  	[tilespmem:s22], [sflag:$0x2] =	stream.indirect.gather [hbm4b:s7+s19], $0x40, s6, s19, $0xb8;
	[tilespmem:$0xDC50] =	vst v63  }
0x63: {  	p0 =	sne.s32 s12, $0x16C0;
	s6 =	sadd.s32 $0x6E8, s4  }
0x64: {  	[tilespmem:s23], [sflag:$0x2] =	stream.indirect.gather [hbm4b:s8+s19], $0x40, s6, s19, $0xb8;
	[tilespmem:$0xDC50] =	vst v63  }
0x65: {  	_ =	swait.ge [sflag:s24], $0x1900  }
0x66: {  	[sflag:s24] =	ssyncset.done $0x0  }
0x67: {  	[sflag:s24] =	ssyncadd.s32 $0xFFFFE700  }
0x68: {  	s6 =	sor.u32 s18, s1;
	_ =	swait.ge [sflag:s24], $0x1900  }
0x69: {  	p1 =	seq.s32 s6, $0x0;
	[sflag:s24] =	ssyncset.done $0x0  }
0x6a: {  	s6 =	simm.s32 @!p1 $0x3;
	[sflag:s24] =	ssyncadd.s32 $0xFFFFE700  }
0x6b: {  	_ =	swait.ge @!p1 [sflag:s6], $0x1900  }
0x6c: {  	[sflag:s6] =	ssyncset.done @!p1 $0x0  }
0x6d: {  	[sflag:s6] =	ssyncadd.s32 @!p1 $0xFFFFE700  }
0x6e: {  	[spmem:s11] =	stream.linear.scatter [tilespmem:s20], [sflag:$0x5], $0x1900, $0x38;
	[tilespmem:$0xDC50] =	vst v63  }
0x6f: {  	_ =	swait.ge [sflag:s16], $0x1900  }
0x70: {  	[sflag:s16] =	ssyncset.done $0x0  }
0x71: {  	[sflag:s16] =	ssyncadd.s32 $0xFFFFE700  }
0x72: {  	[spmem:s2] =	stream.indirect.scatter.add.f32 [tilespmem:s21], [sflag:$0x5], $0x40, s15, s19, $0xb8;
	[tilespmem:$0xDC50] =	vst v63  }
0x73: {  	_ =	swait.ge [sflag:s16], $0x1900  }
0x74: {  	[sflag:s16] =	ssyncset.done $0x0  }
0x75: {  	[sflag:s16] =	ssyncadd.s32 $0xFFFFE700  }
0x76: {  	[tilespmem:s25], [sflag:$0x5] =	stream.linear.gather [spmem:s11], $0x1900, $0x38;
	[tilespmem:$0xDC50] =	vst v63  }
0x77: {  	_ =	swait.ge [sflag:s16], $0x1900  }
0x78: {  	[sflag:s16] =	ssyncset.done $0x0  }
0x79: {  	s6 =	sadd.s32 $0xD00, s4;
	[sflag:s16] =	ssyncadd.s32 $0xFFFFE700  }
0x7a: {  	[hbm4b:s9+s19] =	stream.indirect.scatter [tilespmem:s25], [sflag:$0x3], $0x40, s6, s19, $0xb8;
	[tilespmem:$0xDC50] =	vst v63  }
0x7b: {  	s6 =	sadd.s32 $0xD0, s4  }
0x7c: {  	[tilespmem:s20], [sflag:$0x1] =	stream.indirect.gather [hbm4b:s7+s19], $0x40, s6, s19, $0xb8;
	[tilespmem:$0xDC50] =	vst v63  }
0x7d: {  	s6 =	sadd.s32 $0x750, s4  }
0x7e: {  	[tilespmem:s21], [sflag:$0x1] =	stream.indirect.gather [hbm4b:s8+s19], $0x40, s6, s19, $0xb8;
	[tilespmem:$0xDC50] =	vst v63  }
0x7f: {  	_ =	swait.ge [sflag:s26], $0x1900  }
0x80: {  	[sflag:s26] =	ssyncset.done $0x0  }
0x81: {  	[sflag:s26] =	ssyncadd.s32 $0xFFFFE700  }
0x82: {  	_ =	swait.ge [sflag:s26], $0x1900  }
0x83: {  	p1 =	seq.s32 s14, s31;
	s31 =	smov.u32 s5;
	[sflag:s26] =	ssyncset.done $0x0  }
0x84: {  	s5 =	simm.s32 @!p1 $0x4;
	[sflag:s26] =	ssyncadd.s32 $0xFFFFE700  }
0x85: {  	_ =	swait.ge @!p1 [sflag:s5], $0x1900  }
0x86: {  	[sflag:s5] =	ssyncset.done @!p1 $0x0  }
0x87: {  	[sflag:s5] =	ssyncadd.s32 @!p1 $0xFFFFE700  }
0x88: {  	[spmem:s13] =	stream.linear.scatter [tilespmem:s22], [sflag:$0x5], $0x1900, $0x38;
	[tilespmem:$0xDC50] =	vst v63  }
0x89: {  	_ =	swait.ge [sflag:s16], $0x1900  }
0x8a: {  	[sflag:s16] =	ssyncset.done $0x0  }
0x8b: {  	[sflag:s16] =	ssyncadd.s32 $0xFFFFE700  }
0x8c: {  	[spmem:s2] =	stream.indirect.scatter.add.f32 [tilespmem:s23], [sflag:$0x5], $0x40, s28, s19, $0xb8;
	[tilespmem:$0xDC50] =	vst v63  }
0x8d: {  	_ =	swait.ge [sflag:s16], $0x1900  }
0x8e: {  	[sflag:s16] =	ssyncset.done $0x0  }
.Ltmp0:
0x8f: {  	[sflag:s16] =	ssyncadd.s32 $0xFFFFE700;
	(pc) =	sbr.rel @p0 .LBB2_3-.Ltmp0, $4  }
0x90: {  	[tilespmem:s29], [sflag:$0x5] =	stream.linear.gather [spmem:s13], $0x1900, $0x38;
	[tilespmem:$0xDC50] =	vst v63  }
0x91: {  	_ =	swait.ge [sflag:s16], $0x1900  }
0x92: {  	[sflag:s16] =	ssyncset.done $0x0  }
0x93: {  	s1 =	sadd.s32 $0x1, s1;
	s4 =	sadd.s32 $0xD68, s4;
	[sflag:s16] =	ssyncadd.s32 $0xFFFFE700  }
0x94: {  	[hbm4b:s9+s19] =	stream.indirect.scatter [tilespmem:s29], [sflag:$0x4], $0x40, s4, s19, $0xb8;
	[tilespmem:$0xDC50] =	vst v63  }
0x95: {  	s12 =	sadd.s32 $0x68, s30  }
0x96: {  	[tilespmem:s22], [sflag:$0x2] =	stream.indirect.gather [hbm4b:s7+s19], $0x40, s12, s19, $0xb8;
	[tilespmem:$0xDC50] =	vst v63  }
0x97: {  	s5 =	sadd.s32 $0x6E8, s30  }
0x98: {  	[tilespmem:s23], [sflag:$0x2] =	stream.indirect.gather [hbm4b:s8+s19], $0x40, s5, s19, $0xb8;
	[tilespmem:$0xDC50] =	vst v63  }
0x99: {  	_ =	swait.ge [sflag:s24], $0x1900  }
0x9a: {  	[sflag:s24] =	ssyncset.done $0x0  }
0x9b: {  	[sflag:s24] =	ssyncadd.s32 $0xFFFFE700  }
0x9c: {  	s1 =	sor.u32 s18, s1;
	_ =	swait.ge [sflag:s24], $0x1900  }
0x9d: {  	p0 =	seq.s32 s1, $0x0;
	[sflag:s24] =	ssyncset.done $0x0  }
0x9e: {  	s1 =	simm.s32 @!p0 $0x3;
	[sflag:s24] =	ssyncadd.s32 $0xFFFFE700  }
0x9f: {  	_ =	swait.ge @!p0 [sflag:s1], $0x1900  }
0xa0: {  	[sflag:s1] =	ssyncset.done @!p0 $0x0  }
0xa1: {  	[sflag:s1] =	ssyncadd.s32 @!p0 $0xFFFFE700  }
0xa2: {  	[spmem:s11] =	stream.linear.scatter [tilespmem:s20], [sflag:$0x5], $0x1900, $0x38;
	[tilespmem:$0xDC50] =	vst v63  }
0xa3: {  	_ =	swait.ge [sflag:s16], $0x1900  }
0xa4: {  	[sflag:s16] =	ssyncset.done $0x0  }
0xa5: {  	[sflag:s16] =	ssyncadd.s32 $0xFFFFE700  }
0xa6: {  	[spmem:s2] =	stream.indirect.scatter.add.f32 [tilespmem:s21], [sflag:$0x5], $0x40, s15, s19, $0xb8;
	[tilespmem:$0xDC50] =	vst v63  }
0xa7: {  	_ =	swait.ge [sflag:s16], $0x1900  }
0xa8: {  	[sflag:s16] =	ssyncset.done $0x0  }
0xa9: {  	[sflag:s16] =	ssyncadd.s32 $0xFFFFE700  }
0xaa: {  	[tilespmem:s25], [sflag:$0x5] =	stream.linear.gather [spmem:s11], $0x1900, $0x38;
	[tilespmem:$0xDC50] =	vst v63  }
0xab: {  	_ =	swait.ge [sflag:s16], $0x1900  }
0xac: {  	[sflag:s16] =	ssyncset.done $0x0  }
0xad: {  	s6 =	sadd.s32 $0xD00, s30;
	[sflag:s16] =	ssyncadd.s32 $0xFFFFE700  }
0xae: {  	[hbm4b:s9+s19] =	stream.indirect.scatter [tilespmem:s25], [sflag:$0x3], $0x40, s6, s19, $0xb8;
	[tilespmem:$0xDC50] =	vst v63  }
0xaf: {  	s12 =	sadd.s32 $0xD0, s30  }
0xb0: {  	[tilespmem:s20], [sflag:$0x1] =	stream.indirect.gather [hbm4b:s7+s19], $0x40, s12, s19, $0xb8;
	[tilespmem:$0xDC50] =	vst v63  }
0xb1: {  	s4 =	sadd.s32 $0x750, s30  }
0xb2: {  	[tilespmem:s21], [sflag:$0x1] =	stream.indirect.gather [hbm4b:s8+s19], $0x40, s4, s19, $0xb8;
	[tilespmem:$0xDC50] =	vst v63  }
0xb3: {  	_ =	swait.ge [sflag:s26], $0x1900  }
0xb4: {  	[sflag:s26] =	ssyncset.done $0x0  }
0xb5: {  	[sflag:s26] =	ssyncadd.s32 $0xFFFFE700  }
0xb6: {  	_ =	swait.ge [sflag:s26], $0x1900  }
0xb7: {  	p0 =	seq.s32 s14, s31;
	[sflag:s26] =	ssyncset.done $0x0  }
0xb8: {  	s1 =	simm.s32 @!p0 $0x4;
	[sflag:s26] =	ssyncadd.s32 $0xFFFFE700  }
0xb9: {  	_ =	swait.ge @!p0 [sflag:s1], $0x1900  }
0xba: {  	[sflag:s1] =	ssyncset.done @!p0 $0x0  }
0xbb: {  	[sflag:s1] =	ssyncadd.s32 @!p0 $0xFFFFE700  }
0xbc: {  	[spmem:s13] =	stream.linear.scatter [tilespmem:s22], [sflag:$0x5], $0x1900, $0x38;
	[tilespmem:$0xDC50] =	vst v63  }
0xbd: {  	_ =	swait.ge [sflag:s16], $0x1900  }
0xbe: {  	[sflag:s16] =	ssyncset.done $0x0  }
0xbf: {  	[sflag:s16] =	ssyncadd.s32 $0xFFFFE700  }
0xc0: {  	[spmem:s2] =	stream.indirect.scatter.add.f32 [tilespmem:s23], [sflag:$0x5], $0x40, s28, s19, $0xb8;
	[tilespmem:$0xDC50] =	vst v63  }
0xc1: {  	_ =	swait.ge [sflag:s16], $0x1900  }
0xc2: {  	[sflag:s16] =	ssyncset.done $0x0  }
0xc3: {  	[sflag:s16] =	ssyncadd.s32 $0xFFFFE700  }
0xc4: {  	[tilespmem:s29], [sflag:$0x5] =	stream.linear.gather [spmem:s13], $0x1900, $0x38;
	[tilespmem:$0xDC50] =	vst v63  }
0xc5: {  	_ =	swait.ge [sflag:s16], $0x1900  }
0xc6: {  	[sflag:s16] =	ssyncset.done $0x0  }
0xc7: {  	s5 =	sadd.s32 $0xD68, s30;
	[sflag:s16] =	ssyncadd.s32 $0xFFFFE700  }
0xc8: {  	[hbm4b:s9+s19] =	stream.indirect.scatter [tilespmem:s29], [sflag:$0x4], $0x40, s5, s19, $0xb8;
	[tilespmem:$0xDC50] =	vst v63  }
0xc9: {  	s6 =	simm.s32 $0x618  }
0xca: {  	[tilespmem:s22], [sflag:$0x2] =	stream.indirect.gather [hbm4b:s7+s19], $0x40, s6, s19, $0xb8;
	[tilespmem:$0xDC50] =	vst v63  }
0xcb: {  	s12 =	simm.s32 $0xC98  }
0xcc: {  	[tilespmem:s23], [sflag:$0x2] =	stream.indirect.gather [hbm4b:s8+s19], $0x40, s12, s19, $0xb8;
	[tilespmem:$0xDC50] =	vst v63  }
0xcd: {  	_ =	swait.ge [sflag:s24], $0x1900  }
0xce: {  	[sflag:s24] =	ssyncset.done $0x0  }
0xcf: {  	[sflag:s24] =	ssyncadd.s32 $0xFFFFE700  }
0xd0: {  	_ =	swait.ge [sflag:s24], $0x1900  }
0xd1: {  	[sflag:s24] =	ssyncset.done $0x0  }
0xd2: {  	[sflag:s24] =	ssyncadd.s32 $0xFFFFE700  }
0xd3: {  	_ =	swait.ge [sflag:s0], $0x1900  }
0xd4: {  	[sflag:s0] =	ssyncset.done $0x0  }
0xd5: {  	[sflag:s0] =	ssyncadd.s32 $0xFFFFE700  }
0xd6: {  	[spmem:s11] =	stream.linear.scatter [tilespmem:s20], [sflag:$0x5], $0x1900, $0x38;
	[tilespmem:$0xDC50] =	vst v63  }
0xd7: {  	_ =	swait.ge [sflag:s16], $0x1900  }
0xd8: {  	[sflag:s16] =	ssyncset.done $0x0  }
0xd9: {  	[sflag:s16] =	ssyncadd.s32 $0xFFFFE700  }
0xda: {  	[spmem:s2] =	stream.indirect.scatter.add.f32 [tilespmem:s21], [sflag:$0x5], $0x40, s15, s19, $0xb8;
	[tilespmem:$0xDC50] =	vst v63  }
0xdb: {  	_ =	swait.ge [sflag:s16], $0x1900  }
0xdc: {  	[sflag:s16] =	ssyncset.done $0x0  }
0xdd: {  	[sflag:s16] =	ssyncadd.s32 $0xFFFFE700  }
0xde: {  	[tilespmem:s25], [sflag:$0x5] =	stream.linear.gather [spmem:s11], $0x1900, $0x38;
	[tilespmem:$0xDC50] =	vst v63  }
0xdf: {  	_ =	swait.ge [sflag:s16], $0x1900  }
0xe0: {  	[sflag:s16] =	ssyncset.done $0x0  }
0xe1: {  	s30 =	simm.s32 $0x12B0;
	[sflag:s16] =	ssyncadd.s32 $0xFFFFE700  }
0xe2: {  	[hbm4b:s9+s19] =	stream.indirect.scatter [tilespmem:s25], [sflag:$0x3], $0x40, s30, s19, $0xb8;
	[tilespmem:$0xDC50] =	vst v63  }
0xe3: {  	_ =	swait.ge [sflag:s26], $0x1900  }
0xe4: {  	[sflag:s26] =	ssyncset.done $0x0  }
0xe5: {  	[sflag:s26] =	ssyncadd.s32 $0xFFFFE700  }
0xe6: {  	_ =	swait.ge [sflag:s26], $0x1900  }
0xe7: {  	[sflag:s26] =	ssyncset.done $0x0  }
0xe8: {  	[sflag:s26] =	ssyncadd.s32 $0xFFFFE700  }
0xe9: {  	_ =	swait.ge [sflag:s3], $0x1900  }
0xea: {  	[sflag:s3] =	ssyncset.done $0x0  }
0xeb: {  	[sflag:s3] =	ssyncadd.s32 $0xFFFFE700  }
0xec: {  	[spmem:s13] =	stream.linear.scatter [tilespmem:s22], [sflag:$0x5], $0x1900, $0x38;
	[tilespmem:$0xDC50] =	vst v63  }
0xed: {  	_ =	swait.ge [sflag:s16], $0x1900  }
0xee: {  	[sflag:s16] =	ssyncset.done $0x0  }
0xef: {  	[sflag:s16] =	ssyncadd.s32 $0xFFFFE700  }
0xf0: {  	[spmem:s2] =	stream.indirect.scatter.add.f32 [tilespmem:s23], [sflag:$0x5], $0x40, s28, s19, $0xb8;
	[tilespmem:$0xDC50] =	vst v63  }
0xf1: {  	_ =	swait.ge [sflag:s16], $0x1900  }
0xf2: {  	s18 =	sadd.s32 $0x1, s18;
	[sflag:s16] =	ssyncset.done $0x0  }
0xf3: {  	p0 =	sne.s32 s18, $0x10;
	[sflag:s16] =	ssyncadd.s32 $0xFFFFE700  }
0xf4: {  	[tilespmem:s29], [sflag:$0x5] =	stream.linear.gather [spmem:s13], $0x1900, $0x38;
	[tilespmem:$0xDC50] =	vst v63  }
.Ltmp1:
0xf5: {  	_ = 	snop;
	(pc) =	sbr.rel @p0 .LBB2_2-.Ltmp1, $4  }
0xf6: {  	_ =	swait.ge [sflag:s16], $0x1900  }
0xf7: {  	[sflag:s16] =	ssyncset.done $0x0  }
0xf8: {  	s31 =	simm.s32 $0x1318;
	s14 =	sadd.s32 $0xFFFFE600, s14;
	[sflag:s16] =	ssyncadd.s32 $0xFFFFE700  }
0xf9: {  	[hbm4b:s9+s19] =	stream.indirect.scatter [tilespmem:s29], [sflag:$0x4], $0x40, s31, s19, $0xb8;
	[tilespmem:$0xDC50] =	vst v63  }
0xfa: {  	_ =	swait.ge [sflag:s0], $0x1900  }
0xfb: {  	[sflag:s0] =	ssyncset.done $0x0  }
0xfc: {  	[sflag:s0] =	ssyncadd.s32 $0xFFFFE700  }
0xfd: {  	_ =	swait.ge [sflag:s3], $0x1900  }
0xfe: {  	s4 =	rddreg [dreg:$0x8]  }
0xff: {  	s1 =	rddreg [dreg:$0x7];
	s4 =	sadd.s32 $0x1, s4  }
0x100: {  	p0 =	sne.s32 s4, s1  }
.Ltmp2:
0x101: {  	_ = 	snop;
	(pc) =	sbr.rel @p0 .LBB2_1-.Ltmp2, $3  }
0x102: {  	_ =	sdelay $0x1  }
0x103: {  	[sflag:s3] =	ssyncset.done $0x0  }
0x104: {  	[sflag:s3] =	ssyncadd.s32 $0xFFFFE700  }
0x105: {  	_ =	sfence.sel $0x180000  }
0x106: {  	[bflag:$0x0] =	sbarrier.arrive $0xFFFF  }
0x107: {  	_ =	strace $0x90000047  }
0x108: {  	s0 =	stileid.u32;
	[bflag:$0x2] =	sbarrier.arrive $0xFFFF  }
0x109: {  	p0 =	sne.s32 s0, $0x0;
	s0 =	rddreg [dreg:$0x2]  }
0x10a: {  	s0 =	sadd.s32 @!p0 $0x100000, s0  }
0x10b: {  	[sflag:s0] =	ssyncadd.tile.s32 @!p0 $0x1;
	_ =	shalt  }
.Lfunc_end2:
_tile_overlayer_lowered:
.L_overlay_start_2:
0x10c: {  	(tag) =	ssettag $0x2  }
0x10d: {  	s0 =	rddreg [dreg:$0x0];
	s2 =	stileid.u32  }
0x10e: {  	s1 =	rddreg [dreg:$0x1];
	p0 =	sne.s32 s2, $0x0  }
0x10f: {  	s3 =	rddreg [dreg:$0x2];
	[bflag:$0x3] =	sbarrier.arrive $0xFFFF;
	s2 =	simm.s32 @!p0 $0x1C05  }
0x110: {  	[timem:s3], [sflag:s2] =	dma.local @!p0 [hbm:s0], s1  }
0x111: {  	s0 =	simm.s32 @!p0 $0x5  }
0x112: {  	_ =	swait.ge @!p0 [sflag:s0], s1  }
0x113: {  	s1 =	ssub.s32 @!p0 $0x0, s1;
	[sflag:s0] =	ssyncset.done @!p0 $0x0  }
0x114: {  	[sflag:s0] =	ssyncadd.s32 @!p0 s1  }
0x115: {  	[bflag:$0x3] =	sbarrier.arrive $0xFFFF  }
0x116: {  	_ =	shalt  }

</sc_bundles>
